<compile_context>
chip_gen: v7x
topology: tpu7x:2x2x1
jax: 0.10.2.dev20260603
libtpu: 0.0.44.dev20260713+nightly
codegen_flags: <defaults>
</compile_context>

<pallas_src>
import math

import jax
import jax.numpy as jnp
import numpy as np
from jax import lax
from jax.experimental import pallas as pl
from jax.experimental.pallas import tpu as pltpu
from jax.experimental.pallas import tpu_sc as plsc

_VOCAB = 1000000
_SIZE = 64
_MAX_SEQ_LEN = 1000
_BATCH = 4096
_SEQ = 200
_SCALE = np.float32(math.sqrt(_SIZE))

_NC = 2
_NS = 16
_NW = _NC * _NS

_SEQ_PER_W = _BATCH // _NW
_SEQ_PER_CHUNK = 2
_CHUNKS = _SEQ_PER_W // _SEQ_PER_CHUNK
_ROWS_PER_CHUNK = _SEQ_PER_CHUNK * _SEQ
_GATHER = 100
_NGATHER = _ROWS_PER_CHUNK // _GATHER
_IDX_ROWS = _SEQ_PER_W * _SEQ // _GATHER


def _make_pe(max_seq_len, size):
    pe = np.zeros((max_seq_len, size), dtype=np.float32)
    position = np.arange(0, max_seq_len, dtype=np.float32)[:, None]
    div_term = np.exp(
        np.arange(0, size, 2, dtype=np.float32) * -(math.log(10000.0) / size))
    pe[:, 0::2] = np.sin(position * div_term)
    pe[:, 1::2] = np.cos(position * div_term)
    return pe


_PE = _make_pe(_MAX_SEQ_LEN, _SIZE)[:_SEQ]


def _body(table_hbm, x_hbm, pe_hbm, out_hbm,
          idx_v, rows0, rows1, pe_v, gsem0, gsem1, ssem):
    wid = lax.axis_index("s") * _NC + lax.axis_index("c")
    rows = (rows0, rows1)
    gsem = (gsem0, gsem1)

    i0 = pl.multiple_of(wid * _IDX_ROWS, 8)
    pltpu.sync_copy(x_hbm.at[pl.ds(i0, _IDX_ROWS)], idx_v)
    pltpu.sync_copy(pe_hbm, pe_v)

    def fire_gathers(c, par):
        for g in range(_NGATHER):
            pltpu.async_copy(
                table_hbm.at[idx_v.at[c * _NGATHER + g]],
                rows[par].at[pl.ds(g * _GATHER, _GATHER)], gsem[par])

    def wait_gathers(par):
        pltpu.make_async_copy(
            table_hbm.at[pl.ds(0, _ROWS_PER_CHUNK)], rows[par],
            gsem[par]).wait()

    def store(c, par):
        row0 = pl.multiple_of((wid * _CHUNKS + c) * _ROWS_PER_CHUNK, 8)
        pltpu.async_copy(rows[par], out_hbm.at[pl.ds(row0, _ROWS_PER_CHUNK)],
                         ssem)

    def wait_store(par):
        pltpu.make_async_copy(
            rows[par], out_hbm.at[pl.ds(0, _ROWS_PER_CHUNK)], ssem).wait()

    def compute(par):
        buf = rows[par]

        @pl.loop(0, _SEQ)
        def _pos(l):
            pes = [pe_v[l, pl.ds(k * 16, 16)] for k in range(_SIZE // 16)]
            for s in range(_SEQ_PER_CHUNK):
                r = s * _SEQ + l
                for k in range(_SIZE // 16):
                    sl = pl.ds(k * 16, 16)
                    buf[r, sl] = buf[r, sl] + pes[k]

    fire_gathers(0, 0)

    @pl.loop(0, _CHUNKS, step=2)
    def _outer(t):
        @pl.when(t > 0)
        def _():
            wait_store(1)
        fire_gathers(t + 1, 1)
        wait_gathers(0)
        compute(0)
        store(t, 0)

        wait_store(0)

        @pl.when(t + 2 < _CHUNKS)
        def _():
            fire_gathers(t + 2, 0)
        wait_gathers(1)
        compute(1)
        store(t + 1, 1)

    wait_store(1)


def kernel(x, emb_table):
    b, seq = x.shape
    assert (b, seq) == (_BATCH, _SEQ) and emb_table.shape == (_VOCAB, _SIZE)
    x2d = x.astype(jnp.int32).reshape(b * seq // _GATHER, _GATHER)
    pe = jnp.asarray(_PE)
    table8 = emb_table * _SCALE

    run = pl.kernel(
        _body,
        out_type=jax.ShapeDtypeStruct((b * seq, _SIZE), jnp.float32),
        mesh=plsc.VectorSubcoreMesh(core_axis_name="c", subcore_axis_name="s"),
        compiler_params=pltpu.CompilerParams(
            use_tc_tiling_on_sc=False, skip_device_barrier=True),
        scratch_types=[
            pltpu.VMEM((_IDX_ROWS, _GATHER), jnp.int32),
            pltpu.VMEM((_ROWS_PER_CHUNK, _SIZE), jnp.float32),
            pltpu.VMEM((_ROWS_PER_CHUNK, _SIZE), jnp.float32),
            pltpu.VMEM((_SEQ, _SIZE), jnp.float32),
            pltpu.SemaphoreType.DMA,
            pltpu.SemaphoreType.DMA,
            pltpu.SemaphoreType.DMA,
        ],
    )
    out = run(table8, x2d, pe)
    return out.reshape(b, seq, _SIZE)

# --- scband reference (transcript-rebuilt; emitter-appended) ---
"""Pipeline reference for scband-positional-embedding-13322988552232 (READ-ONLY COPY).

The authoritative reference and input builder live on the scoring server;
editing this copy changes nothing except your own understanding.
"""

import jax, jax.numpy as jnp
import numpy as np
import math

VOCAB = 1000000
SIZE = 64
MAX_SEQ_LEN = 1000
BATCH = 4096
SEQ = 200


def _make_pe(max_seq_len, size):
    pe = np.zeros((max_seq_len, size), dtype=np.float32)
    position = np.arange(0, max_seq_len, dtype=np.float32)[:, None]
    div_term = np.exp(np.arange(0, size, 2, dtype=np.float32) * -(math.log(10000.0) / size))
    pe[:, 0::2] = np.sin(position * div_term)
    pe[:, 1::2] = np.cos(position * div_term)
    return jnp.asarray(pe)


def setup_inputs(seed: int = 0) -> dict:
    key = jax.random.key(seed)
    k1, k2 = jax.random.split(key)
    x = jax.random.randint(k1, (BATCH, SEQ), 0, VOCAB, dtype=jnp.int64 if jax.config.jax_enable_x64 else jnp.int32)
    emb_table = jax.random.normal(k2, (VOCAB, SIZE), dtype=jnp.float32) * 0.02
    return {"x": x, "emb_table": emb_table}


def reference(x, emb_table):
    # Embedding lookup (gather)
    h = jnp.take(emb_table, x, axis=0)  # [B, L, SIZE]
    # scale=True: multiply by sqrt(size)
    h = math.sqrt(SIZE) * h
    # Absolute sinusoidal positional encoding (add pe[:L])
    pe = _make_pe(MAX_SEQ_LEN, SIZE)
    h = h + pe[: h.shape[1]][None, :, :]
    # dropout=0.0 -> identity
    return h

if __name__ == "__main__":
    import jax
    _d = setup_inputs()
    print(jax.jit(kernel)(*tuple(_d.values())))

</pallas_src>

<mosaic_0001>
#map = affine_map<(d0, d1) -> (0, 0)>
module attributes {stable_mosaic.version = 14 : i64} {
  func.func @_body(%arg0: i32, %arg1: i32, %arg2: memref<1000000x64xf32, #tpu.memory_space<hbm>>, %arg3: memref<8192x100xi32, #tpu.memory_space<hbm>>, %arg4: memref<200x64xf32, #tpu.memory_space<hbm>>, %arg5: memref<819200x64xf32, #tpu.memory_space<hbm>>, %arg6: memref<256x100xi32, #tpu.memory_space<vmem>>, %arg7: memref<400x64xf32, #tpu.memory_space<vmem>>, %arg8: memref<400x64xf32, #tpu.memory_space<vmem>>, %arg9: memref<200x64xf32, #tpu.memory_space<vmem>>, %arg10: memref<!tpu.dma_semaphore, #tpu.memory_space<semaphore_mem>>, %arg11: memref<!tpu.dma_semaphore, #tpu.memory_space<semaphore_mem>>, %arg12: memref<!tpu.dma_semaphore, #tpu.memory_space<semaphore_mem>>) attributes {dimension_semantics = [#tpu.dimension_semantics<core_parallel>, #tpu.dimension_semantics<subcore_parallel>], iteration_bounds = array<i64: 2, 16>, scalar_prefetch = 0 : i64, scratch_operands = 7 : i64, tpu.core_type = #tpu.core_type<sc_vector_subcore>, window_params = [{transform_indices = #map}, {transform_indices = #map}, {transform_indices = #map}, {transform_indices = #map}]} {
    %mul3A = arith.constant 2 : i32
    %mul3A_0 = arith.muli %arg1, %mul3A : i32
    %add3A = arith.addi %mul3A_0, %arg0 : i32
    %mul3A_1 = arith.constant 256 : i32
    %mul3A_2 = arith.muli %add3A, %mul3A_1 : i32
    %multiple_of3A = tpu.assume_multiple %mul3A_2, 8 : i32
    "tpu.region"() ({
      %run_scoped3A = tpu.sem_alloc : memref<!tpu.dma_semaphore, #tpu.memory_space<semaphore_mem>>
      %dma_start3A_51 = arith.constant 0 : i32
      %dma_start3A_52 = tpu.memref_slice %arg3[%multiple_of3A, %dma_start3A_51] : memref<8192x100xi32, #tpu.memory_space<hbm>> -> memref<256x100xi32, #tpu.memory_space<hbm>>
      %dma_start3A_53 = arith.constant 0 : i32
      %dma_start3A_54 = tpu.memref_slice %arg3[%multiple_of3A, %dma_start3A_53] : memref<8192x100xi32, #tpu.memory_space<hbm>> -> memref<256x100xi32, #tpu.memory_space<hbm>>
      tpu.enqueue_dma source(%dma_start3A_54 : memref<256x100xi32, #tpu.memory_space<hbm>>) target(%arg6 : memref<256x100xi32, #tpu.memory_space<vmem>>) target_semaphore(%run_scoped3A : memref<!tpu.dma_semaphore, #tpu.memory_space<semaphore_mem>>)
      %dma_wait3A_55 = arith.constant 0 : i32
      %dma_wait3A_56 = tpu.memref_slice %arg3[%multiple_of3A, %dma_wait3A_55] : memref<8192x100xi32, #tpu.memory_space<hbm>> -> memref<256x100xi32, #tpu.memory_space<hbm>>
      %dma_wait3A_57 = arith.constant 0 : i32
      %dma_wait3A_58 = tpu.memref_slice %arg3[%multiple_of3A, %dma_wait3A_57] : memref<8192x100xi32, #tpu.memory_space<hbm>> -> memref<256x100xi32, #tpu.memory_space<hbm>>
      tpu.wait_dma2 semaphore(%run_scoped3A : memref<!tpu.dma_semaphore, #tpu.memory_space<semaphore_mem>>) src(%dma_wait3A_58 : memref<256x100xi32, #tpu.memory_space<hbm>>) dst(%arg6 : memref<256x100xi32, #tpu.memory_space<vmem>>)
      tpu.yield
    }) : () -> ()
    "tpu.region"() ({
      %run_scoped3A = tpu.sem_alloc : memref<!tpu.dma_semaphore, #tpu.memory_space<semaphore_mem>>
      tpu.enqueue_dma source(%arg4 : memref<200x64xf32, #tpu.memory_space<hbm>>) target(%arg9 : memref<200x64xf32, #tpu.memory_space<vmem>>) target_semaphore(%run_scoped3A : memref<!tpu.dma_semaphore, #tpu.memory_space<semaphore_mem>>)
      tpu.wait_dma2 semaphore(%run_scoped3A : memref<!tpu.dma_semaphore, #tpu.memory_space<semaphore_mem>>) src(%arg4 : memref<200x64xf32, #tpu.memory_space<hbm>>) dst(%arg9 : memref<200x64xf32, #tpu.memory_space<vmem>>)
      tpu.yield
    }) : () -> ()
    %dma_start3A = arith.constant 0 : i32
    %dma_start3A_3 = arith.constant 0 : i32
    %dma_start3A_4 = arith.constant 0 : i32
    %dma_start3A_5 = tpu.memref_slice %arg7[%dma_start3A_3, %dma_start3A_4] : memref<400x64xf32, #tpu.memory_space<vmem>> -> memref<100x64xf32, #tpu.memory_space<vmem>>
    %dma_start3A_6 = arith.constant 0 : i32
    %dma_start3A_7 = tpu.memref_slice %arg6[%dma_start3A, %dma_start3A_6] : memref<256x100xi32, #tpu.memory_space<vmem>> -> memref<1x100xi32, #tpu.memory_space<vmem>>
    %dma_start3A_8 = tpu.memref_squeeze %dma_start3A_7 : memref<1x100xi32, #tpu.memory_space<vmem>> -> memref<100xi32, #tpu.memory_space<vmem>>
    %dma_start3A_9 = arith.constant 0 : i32
    %dma_start3A_10 = arith.constant 0 : i32
    %dma_start3A_11 = tpu.memref_slice %arg2[%dma_start3A_9, %dma_start3A_10] : memref<1000000x64xf32, #tpu.memory_space<hbm>> -> memref<1000000x64xf32, #tpu.memory_space<hbm>>
    tpu.enqueue_indirect_dma source(%dma_start3A_11 : memref<1000000x64xf32, #tpu.memory_space<hbm>>) target(%dma_start3A_5 : memref<100x64xf32, #tpu.memory_space<vmem>>) offsets(%dma_start3A_8 : memref<100xi32, #tpu.memory_space<vmem>>) semaphore(%arg10 : memref<!tpu.dma_semaphore, #tpu.memory_space<semaphore_mem>>)
    %dma_start3A_12 = arith.constant 1 : i32
    %dma_start3A_13 = arith.constant 100 : i32
    %dma_start3A_14 = arith.constant 0 : i32
    %dma_start3A_15 = tpu.memref_slice %arg7[%dma_start3A_13, %dma_start3A_14] : memref<400x64xf32, #tpu.memory_space<vmem>> -> memref<100x64xf32, #tpu.memory_space<vmem>>
    %dma_start3A_16 = arith.constant 0 : i32
    %dma_start3A_17 = tpu.memref_slice %arg6[%dma_start3A_12, %dma_start3A_16] : memref<256x100xi32, #tpu.memory_space<vmem>> -> memref<1x100xi32, #tpu.memory_space<vmem>>
    %dma_start3A_18 = tpu.memref_squeeze %dma_start3A_17 : memref<1x100xi32, #tpu.memory_space<vmem>> -> memref<100xi32, #tpu.memory_space<vmem>>
    %dma_start3A_19 = arith.constant 0 : i32
    %dma_start3A_20 = arith.constant 0 : i32
    %dma_start3A_21 = tpu.memref_slice %arg2[%dma_start3A_19, %dma_start3A_20] : memref<1000000x64xf32, #tpu.memory_space<hbm>> -> memref<1000000x64xf32, #tpu.memory_space<hbm>>
    tpu.enqueue_indirect_dma source(%dma_start3A_21 : memref<1000000x64xf32, #tpu.memory_space<hbm>>) target(%dma_start3A_15 : memref<100x64xf32, #tpu.memory_space<vmem>>) offsets(%dma_start3A_18 : memref<100xi32, #tpu.memory_space<vmem>>) semaphore(%arg10 : memref<!tpu.dma_semaphore, #tpu.memory_space<semaphore_mem>>)
    %dma_start3A_22 = arith.constant 2 : i32
    %dma_start3A_23 = arith.constant 200 : i32
    %dma_start3A_24 = arith.constant 0 : i32
    %dma_start3A_25 = tpu.memref_slice %arg7[%dma_start3A_23, %dma_start3A_24] : memref<400x64xf32, #tpu.memory_space<vmem>> -> memref<100x64xf32, #tpu.memory_space<vmem>>
    %dma_start3A_26 = arith.constant 0 : i32
    %dma_start3A_27 = tpu.memref_slice %arg6[%dma_start3A_22, %dma_start3A_26] : memref<256x100xi32, #tpu.memory_space<vmem>> -> memref<1x100xi32, #tpu.memory_space<vmem>>
    %dma_start3A_28 = tpu.memref_squeeze %dma_start3A_27 : memref<1x100xi32, #tpu.memory_space<vmem>> -> memref<100xi32, #tpu.memory_space<vmem>>
    %dma_start3A_29 = arith.constant 0 : i32
    %dma_start3A_30 = arith.constant 0 : i32
    %dma_start3A_31 = tpu.memref_slice %arg2[%dma_start3A_29, %dma_start3A_30] : memref<1000000x64xf32, #tpu.memory_space<hbm>> -> memref<1000000x64xf32, #tpu.memory_space<hbm>>
    tpu.enqueue_indirect_dma source(%dma_start3A_31 : memref<1000000x64xf32, #tpu.memory_space<hbm>>) target(%dma_start3A_25 : memref<100x64xf32, #tpu.memory_space<vmem>>) offsets(%dma_start3A_28 : memref<100xi32, #tpu.memory_space<vmem>>) semaphore(%arg10 : memref<!tpu.dma_semaphore, #tpu.memory_space<semaphore_mem>>)
    %dma_start3A_32 = arith.constant 3 : i32
    %dma_start3A_33 = arith.constant 300 : i32
    %dma_start3A_34 = arith.constant 0 : i32
    %dma_start3A_35 = tpu.memref_slice %arg7[%dma_start3A_33, %dma_start3A_34] : memref<400x64xf32, #tpu.memory_space<vmem>> -> memref<100x64xf32, #tpu.memory_space<vmem>>
    %dma_start3A_36 = arith.constant 0 : i32
    %dma_start3A_37 = tpu.memref_slice %arg6[%dma_start3A_32, %dma_start3A_36] : memref<256x100xi32, #tpu.memory_space<vmem>> -> memref<1x100xi32, #tpu.memory_space<vmem>>
    %dma_start3A_38 = tpu.memref_squeeze %dma_start3A_37 : memref<1x100xi32, #tpu.memory_space<vmem>> -> memref<100xi32, #tpu.memory_space<vmem>>
    %dma_start3A_39 = arith.constant 0 : i32
    %dma_start3A_40 = arith.constant 0 : i32
    %dma_start3A_41 = tpu.memref_slice %arg2[%dma_start3A_39, %dma_start3A_40] : memref<1000000x64xf32, #tpu.memory_space<hbm>> -> memref<1000000x64xf32, #tpu.memory_space<hbm>>
    tpu.enqueue_indirect_dma source(%dma_start3A_41 : memref<1000000x64xf32, #tpu.memory_space<hbm>>) target(%dma_start3A_35 : memref<100x64xf32, #tpu.memory_space<vmem>>) offsets(%dma_start3A_38 : memref<100xi32, #tpu.memory_space<vmem>>) semaphore(%arg10 : memref<!tpu.dma_semaphore, #tpu.memory_space<semaphore_mem>>)
    %scan3A = arith.constant 0 : i32
    %scan3A_42 = arith.constant 32 : i32
    %scan3A_43 = arith.addi %scan3A, %scan3A_42 : i32
    %scan3A_44 = arith.constant 1 : i32
    scf.for %scan3A_51 = %scan3A to %scan3A_43 step %scan3A_44  : i32 {
      %mul3A_52 = arith.constant 2 : i32
      %mul3A_53 = arith.muli %scan3A_51, %mul3A_52 : i32
      %add3A_54 = arith.constant 0 : i32
      %add3A_55 = arith.addi %add3A_54, %mul3A_53 : i32
      %gt3A = arith.constant 0 : i32
      %gt3A_56 = arith.cmpi sgt, %add3A_55, %gt3A : i32
      %convert_element_type3A = arith.extui %gt3A_56 : i1 to i32
      %cond3A = arith.constant 0 : i32
      %cond3A_57 = arith.cmpi ne, %convert_element_type3A, %cond3A : i32
      scf.if %cond3A_57 {
        %dma_wait3A_168 = arith.constant 0 : i32
        %dma_wait3A_169 = arith.constant 0 : i32
        %dma_wait3A_170 = tpu.memref_slice %arg5[%dma_wait3A_168, %dma_wait3A_169] : memref<819200x64xf32, #tpu.memory_space<hbm>> -> memref<400x64xf32, #tpu.memory_space<hbm>>
        %dma_wait3A_171 = arith.constant 0 : i32
        %dma_wait3A_172 = arith.constant 0 : i32
        %dma_wait3A_173 = tpu.memref_slice %arg5[%dma_wait3A_171, %dma_wait3A_172] : memref<819200x64xf32, #tpu.memory_space<hbm>> -> memref<400x64xf32, #tpu.memory_space<hbm>>
        tpu.wait_dma2 semaphore(%arg12 : memref<!tpu.dma_semaphore, #tpu.memory_space<semaphore_mem>>) src(%arg8 : memref<400x64xf32, #tpu.memory_space<vmem>>) dst(%dma_wait3A_173 : memref<400x64xf32, #tpu.memory_space<hbm>>)
      } else {
      }
      %add3A_58 = arith.constant 1 : i32
      %add3A_59 = arith.addi %add3A_55, %add3A_58 : i32
      %mul3A_60 = arith.constant 4 : i32
      %mul3A_61 = arith.muli %add3A_59, %mul3A_60 : i32
      %add3A_62 = arith.constant 0 : i32
      %add3A_63 = arith.addi %mul3A_61, %add3A_62 : i32
      %dma_start3A_64 = arith.constant 0 : i32
      %dma_start3A_65 = arith.constant 0 : i32
      %dma_start3A_66 = tpu.memref_slice %arg8[%dma_start3A_64, %dma_start3A_65] : memref<400x64xf32, #tpu.memory_space<vmem>> -> memref<100x64xf32, #tpu.memory_space<vmem>>
      %dma_start3A_67 = arith.constant 0 : i32
      %dma_start3A_68 = tpu.memref_slice %arg6[%add3A_63, %dma_start3A_67] : memref<256x100xi32, #tpu.memory_space<vmem>> -> memref<1x100xi32, #tpu.memory_space<vmem>>
      %dma_start3A_69 = tpu.memref_squeeze %dma_start3A_68 : memref<1x100xi32, #tpu.memory_space<vmem>> -> memref<100xi32, #tpu.memory_space<vmem>>
      %dma_start3A_70 = arith.constant 0 : i32
      %dma_start3A_71 = arith.constant 0 : i32
      %dma_start3A_72 = tpu.memref_slice %arg2[%dma_start3A_70, %dma_start3A_71] : memref<1000000x64xf32, #tpu.memory_space<hbm>> -> memref<1000000x64xf32, #tpu.memory_space<hbm>>
      tpu.enqueue_indirect_dma source(%dma_start3A_72 : memref<1000000x64xf32, #tpu.memory_space<hbm>>) target(%dma_start3A_66 : memref<100x64xf32, #tpu.memory_space<vmem>>) offsets(%dma_start3A_69 : memref<100xi32, #tpu.memory_space<vmem>>) semaphore(%arg11 : memref<!tpu.dma_semaphore, #tpu.memory_space<semaphore_mem>>)
      %mul3A_73 = arith.constant 4 : i32
      %mul3A_74 = arith.muli %add3A_59, %mul3A_73 : i32
      %add3A_75 = arith.constant 1 : i32
      %add3A_76 = arith.addi %mul3A_74, %add3A_75 : i32
      %dma_start3A_77 = arith.constant 100 : i32
      %dma_start3A_78 = arith.constant 0 : i32
      %dma_start3A_79 = tpu.memref_slice %arg8[%dma_start3A_77, %dma_start3A_78] : memref<400x64xf32, #tpu.memory_space<vmem>> -> memref<100x64xf32, #tpu.memory_space<vmem>>
      %dma_start3A_80 = arith.constant 0 : i32
      %dma_start3A_81 = tpu.memref_slice %arg6[%add3A_76, %dma_start3A_80] : memref<256x100xi32, #tpu.memory_space<vmem>> -> memref<1x100xi32, #tpu.memory_space<vmem>>
      %dma_start3A_82 = tpu.memref_squeeze %dma_start3A_81 : memref<1x100xi32, #tpu.memory_space<vmem>> -> memref<100xi32, #tpu.memory_space<vmem>>
      %dma_start3A_83 = arith.constant 0 : i32
      %dma_start3A_84 = arith.constant 0 : i32
      %dma_start3A_85 = tpu.memref_slice %arg2[%dma_start3A_83, %dma_start3A_84] : memref<1000000x64xf32, #tpu.memory_space<hbm>> -> memref<1000000x64xf32, #tpu.memory_space<hbm>>
      tpu.enqueue_indirect_dma source(%dma_start3A_85 : memref<1000000x64xf32, #tpu.memory_space<hbm>>) target(%dma_start3A_79 : memref<100x64xf32, #tpu.memory_space<vmem>>) offsets(%dma_start3A_82 : memref<100xi32, #tpu.memory_space<vmem>>) semaphore(%arg11 : memref<!tpu.dma_semaphore, #tpu.memory_space<semaphore_mem>>)
      %mul3A_86 = arith.constant 4 : i32
      %mul3A_87 = arith.muli %add3A_59, %mul3A_86 : i32
      %add3A_88 = arith.constant 2 : i32
      %add3A_89 = arith.addi %mul3A_87, %add3A_88 : i32
      %dma_start3A_90 = arith.constant 200 : i32
      %dma_start3A_91 = arith.constant 0 : i32
      %dma_start3A_92 = tpu.memref_slice %arg8[%dma_start3A_90, %dma_start3A_91] : memref<400x64xf32, #tpu.memory_space<vmem>> -> memref<100x64xf32, #tpu.memory_space<vmem>>
      %dma_start3A_93 = arith.constant 0 : i32
      %dma_start3A_94 = tpu.memref_slice %arg6[%add3A_89, %dma_start3A_93] : memref<256x100xi32, #tpu.memory_space<vmem>> -> memref<1x100xi32, #tpu.memory_space<vmem>>
      %dma_start3A_95 = tpu.memref_squeeze %dma_start3A_94 : memref<1x100xi32, #tpu.memory_space<vmem>> -> memref<100xi32, #tpu.memory_space<vmem>>
      %dma_start3A_96 = arith.constant 0 : i32
      %dma_start3A_97 = arith.constant 0 : i32
      %dma_start3A_98 = tpu.memref_slice %arg2[%dma_start3A_96, %dma_start3A_97] : memref<1000000x64xf32, #tpu.memory_space<hbm>> -> memref<1000000x64xf32, #tpu.memory_space<hbm>>
      tpu.enqueue_indirect_dma source(%dma_start3A_98 : memref<1000000x64xf32, #tpu.memory_space<hbm>>) target(%dma_start3A_92 : memref<100x64xf32, #tpu.memory_space<vmem>>) offsets(%dma_start3A_95 : memref<100xi32, #tpu.memory_space<vmem>>) semaphore(%arg11 : memref<!tpu.dma_semaphore, #tpu.memory_space<semaphore_mem>>)
      %mul3A_99 = arith.constant 4 : i32
      %mul3A_100 = arith.muli %add3A_59, %mul3A_99 : i32
      %add3A_101 = arith.constant 3 : i32
      %add3A_102 = arith.addi %mul3A_100, %add3A_101 : i32
      %dma_start3A_103 = arith.constant 300 : i32
      %dma_start3A_104 = arith.constant 0 : i32
      %dma_start3A_105 = tpu.memref_slice %arg8[%dma_start3A_103, %dma_start3A_104] : memref<400x64xf32, #tpu.memory_space<vmem>> -> memref<100x64xf32, #tpu.memory_space<vmem>>
      %dma_start3A_106 = arith.constant 0 : i32
      %dma_start3A_107 = tpu.memref_slice %arg6[%add3A_102, %dma_start3A_106] : memref<256x100xi32, #tpu.memory_space<vmem>> -> memref<1x100xi32, #tpu.memory_space<vmem>>
      %dma_start3A_108 = tpu.memref_squeeze %dma_start3A_107 : memref<1x100xi32, #tpu.memory_space<vmem>> -> memref<100xi32, #tpu.memory_space<vmem>>
      %dma_start3A_109 = arith.constant 0 : i32
      %dma_start3A_110 = arith.constant 0 : i32
      %dma_start3A_111 = tpu.memref_slice %arg2[%dma_start3A_109, %dma_start3A_110] : memref<1000000x64xf32, #tpu.memory_space<hbm>> -> memref<1000000x64xf32, #tpu.memory_space<hbm>>
      tpu.enqueue_indirect_dma source(%dma_start3A_111 : memref<1000000x64xf32, #tpu.memory_space<hbm>>) target(%dma_start3A_105 : memref<100x64xf32, #tpu.memory_space<vmem>>) offsets(%dma_start3A_108 : memref<100xi32, #tpu.memory_space<vmem>>) semaphore(%arg11 : memref<!tpu.dma_semaphore, #tpu.memory_space<semaphore_mem>>)
      %dma_wait3A_112 = arith.constant 0 : i32
      %dma_wait3A_113 = arith.constant 0 : i32
      %dma_wait3A_114 = tpu.memref_slice %arg2[%dma_wait3A_112, %dma_wait3A_113] : memref<1000000x64xf32, #tpu.memory_space<hbm>> -> memref<400x64xf32, #tpu.memory_space<hbm>>
      %dma_wait3A_115 = arith.constant 0 : i32
      %dma_wait3A_116 = arith.constant 0 : i32
      %dma_wait3A_117 = tpu.memref_slice %arg2[%dma_wait3A_115, %dma_wait3A_116] : memref<1000000x64xf32, #tpu.memory_space<hbm>> -> memref<400x64xf32, #tpu.memory_space<hbm>>
      tpu.wait_dma2 semaphore(%arg10 : memref<!tpu.dma_semaphore, #tpu.memory_space<semaphore_mem>>) src(%dma_wait3A_117 : memref<400x64xf32, #tpu.memory_space<hbm>>) dst(%arg7 : memref<400x64xf32, #tpu.memory_space<vmem>>)
      %scan3A_118 = arith.constant 0 : i32
      %scan3A_119 = arith.constant 200 : i32
      %scan3A_120 = arith.addi %scan3A_118, %scan3A_119 : i32
      %scan3A_121 = arith.constant 1 : i32
      scf.for %scan3A_168 = %scan3A_118 to %scan3A_120 step %scan3A_121  : i32 {
        %mul3A_169 = arith.constant 1 : i32
        %mul3A_170 = arith.muli %scan3A_168, %mul3A_169 : i32
        %add3A_171 = arith.constant 0 : i32
        %add3A_172 = arith.addi %add3A_171, %mul3A_170 : i32
        %get3A = arith.index_cast %add3A_172 : i32 to index
        %get3A_173 = arith.constant 0 : index
        %get3A_174 = tpu.vector_load %arg9[%get3A, %get3A_173] {strides = array<i32>} : memref<200x64xf32, #tpu.memory_space<vmem>>, vector<1x16xf32>,
        %get3A_175 = vector.shape_cast %get3A_174 : vector<1x16xf32> to vector<16xf32>
        %get3A_176 = arith.index_cast %add3A_172 : i32 to index
        %get3A_177 = arith.constant 16 : index
        %get3A_178 = tpu.vector_load %arg9[%get3A_176, %get3A_177] {strides = array<i32>} : memref<200x64xf32, #tpu.memory_space<vmem>>, vector<1x16xf32>,
        %get3A_179 = vector.shape_cast %get3A_178 : vector<1x16xf32> to vector<16xf32>
        %get3A_180 = arith.index_cast %add3A_172 : i32 to index
        %get3A_181 = arith.constant 32 : index
        %get3A_182 = tpu.vector_load %arg9[%get3A_180, %get3A_181] {strides = array<i32>} : memref<200x64xf32, #tpu.memory_space<vmem>>, vector<1x16xf32>,
        %get3A_183 = vector.shape_cast %get3A_182 : vector<1x16xf32> to vector<16xf32>
        %get3A_184 = arith.index_cast %add3A_172 : i32 to index
        %get3A_185 = arith.constant 48 : index
        %get3A_186 = tpu.vector_load %arg9[%get3A_184, %get3A_185] {strides = array<i32>} : memref<200x64xf32, #tpu.memory_space<vmem>>, vector<1x16xf32>,
        %get3A_187 = vector.shape_cast %get3A_186 : vector<1x16xf32> to vector<16xf32>
        %add3A_188 = arith.constant 0 : i32
        %add3A_189 = arith.addi %add3A_188, %add3A_172 : i32
        %get3A_190 = arith.index_cast %add3A_189 : i32 to index
        %get3A_191 = arith.constant 0 : index
        %get3A_192 = tpu.vector_load %arg7[%get3A_190, %get3A_191] {strides = array<i32>} : memref<400x64xf32, #tpu.memory_space<vmem>>, vector<1x16xf32>,
        %get3A_193 = vector.shape_cast %get3A_192 : vector<1x16xf32> to vector<16xf32>
        %add3A_194 = arith.addf %get3A_193, %get3A_175 : vector<16xf32>
        %swap3A = arith.index_cast %add3A_189 : i32 to index
        %swap3A_195 = arith.constant 0 : index
        %swap3A_196 = tpu.vector_load %arg7[%swap3A, %swap3A_195] {strides = array<i32>} : memref<400x64xf32, #tpu.memory_space<vmem>>, vector<1x16xf32>,
        %swap3A_197 = vector.shape_cast %swap3A_196 : vector<1x16xf32> to vector<16xf32>
        %swap3A_198 = vector.shape_cast %add3A_194 : vector<16xf32> to vector<1x16xf32>
        tpu.vector_store %arg7[%swap3A, %swap3A_195], %swap3A_198 {strides = array<i32>} : memref<400x64xf32, #tpu.memory_space<vmem>>, vector<1x16xf32>,
        %get3A_199 = arith.index_cast %add3A_189 : i32 to index
        %get3A_200 = arith.constant 16 : index
        %get3A_201 = tpu.vector_load %arg7[%get3A_199, %get3A_200] {strides = array<i32>} : memref<400x64xf32, #tpu.memory_space<vmem>>, vector<1x16xf32>,
        %get3A_202 = vector.shape_cast %get3A_201 : vector<1x16xf32> to vector<16xf32>
        %add3A_203 = arith.addf %get3A_202, %get3A_179 : vector<16xf32>
        %swap3A_204 = arith.index_cast %add3A_189 : i32 to index
        %swap3A_205 = arith.constant 16 : index
        %swap3A_206 = tpu.vector_load %arg7[%swap3A_204, %swap3A_205] {strides = array<i32>} : memref<400x64xf32, #tpu.memory_space<vmem>>, vector<1x16xf32>,
        %swap3A_207 = vector.shape_cast %swap3A_206 : vector<1x16xf32> to vector<16xf32>
        %swap3A_208 = vector.shape_cast %add3A_203 : vector<16xf32> to vector<1x16xf32>
        tpu.vector_store %arg7[%swap3A_204, %swap3A_205], %swap3A_208 {strides = array<i32>} : memref<400x64xf32, #tpu.memory_space<vmem>>, vector<1x16xf32>,
        %get3A_209 = arith.index_cast %add3A_189 : i32 to index
        %get3A_210 = arith.constant 32 : index
        %get3A_211 = tpu.vector_load %arg7[%get3A_209, %get3A_210] {strides = array<i32>} : memref<400x64xf32, #tpu.memory_space<vmem>>, vector<1x16xf32>,
        %get3A_212 = vector.shape_cast %get3A_211 : vector<1x16xf32> to vector<16xf32>
        %add3A_213 = arith.addf %get3A_212, %get3A_183 : vector<16xf32>
        %swap3A_214 = arith.index_cast %add3A_189 : i32 to index
        %swap3A_215 = arith.constant 32 : index
        %swap3A_216 = tpu.vector_load %arg7[%swap3A_214, %swap3A_215] {strides = array<i32>} : memref<400x64xf32, #tpu.memory_space<vmem>>, vector<1x16xf32>,
        %swap3A_217 = vector.shape_cast %swap3A_216 : vector<1x16xf32> to vector<16xf32>
        %swap3A_218 = vector.shape_cast %add3A_213 : vector<16xf32> to vector<1x16xf32>
        tpu.vector_store %arg7[%swap3A_214, %swap3A_215], %swap3A_218 {strides = array<i32>} : memref<400x64xf32, #tpu.memory_space<vmem>>, vector<1x16xf32>,
        %get3A_219 = arith.index_cast %add3A_189 : i32 to index
        %get3A_220 = arith.constant 48 : index
        %get3A_221 = tpu.vector_load %arg7[%get3A_219, %get3A_220] {strides = array<i32>} : memref<400x64xf32, #tpu.memory_space<vmem>>, vector<1x16xf32>,
        %get3A_222 = vector.shape_cast %get3A_221 : vector<1x16xf32> to vector<16xf32>
        %add3A_223 = arith.addf %get3A_222, %get3A_187 : vector<16xf32>
        %swap3A_224 = arith.index_cast %add3A_189 : i32 to index
        %swap3A_225 = arith.constant 48 : index
        %swap3A_226 = tpu.vector_load %arg7[%swap3A_224, %swap3A_225] {strides = array<i32>} : memref<400x64xf32, #tpu.memory_space<vmem>>, vector<1x16xf32>,
        %swap3A_227 = vector.shape_cast %swap3A_226 : vector<1x16xf32> to vector<16xf32>
        %swap3A_228 = vector.shape_cast %add3A_223 : vector<16xf32> to vector<1x16xf32>
        tpu.vector_store %arg7[%swap3A_224, %swap3A_225], %swap3A_228 {strides = array<i32>} : memref<400x64xf32, #tpu.memory_space<vmem>>, vector<1x16xf32>,
        %add3A_229 = arith.constant 200 : i32
        %add3A_230 = arith.addi %add3A_229, %add3A_172 : i32
        %get3A_231 = arith.index_cast %add3A_230 : i32 to index
        %get3A_232 = arith.constant 0 : index
        %get3A_233 = tpu.vector_load %arg7[%get3A_231, %get3A_232] {strides = array<i32>} : memref<400x64xf32, #tpu.memory_space<vmem>>, vector<1x16xf32>,
        %get3A_234 = vector.shape_cast %get3A_233 : vector<1x16xf32> to vector<16xf32>
        %add3A_235 = arith.addf %get3A_234, %get3A_175 : vector<16xf32>
        %swap3A_236 = arith.index_cast %add3A_230 : i32 to index
        %swap3A_237 = arith.constant 0 : index
        %swap3A_238 = tpu.vector_load %arg7[%swap3A_236, %swap3A_237] {strides = array<i32>} : memref<400x64xf32, #tpu.memory_space<vmem>>, vector<1x16xf32>,
        %swap3A_239 = vector.shape_cast %swap3A_238 : vector<1x16xf32> to vector<16xf32>
        %swap3A_240 = vector.shape_cast %add3A_235 : vector<16xf32> to vector<1x16xf32>
        tpu.vector_store %arg7[%swap3A_236, %swap3A_237], %swap3A_240 {strides = array<i32>} : memref<400x64xf32, #tpu.memory_space<vmem>>, vector<1x16xf32>,
        %get3A_241 = arith.index_cast %add3A_230 : i32 to index
        %get3A_242 = arith.constant 16 : index
        %get3A_243 = tpu.vector_load %arg7[%get3A_241, %get3A_242] {strides = array<i32>} : memref<400x64xf32, #tpu.memory_space<vmem>>, vector<1x16xf32>,
        %get3A_244 = vector.shape_cast %get3A_243 : vector<1x16xf32> to vector<16xf32>
        %add3A_245 = arith.addf %get3A_244, %get3A_179 : vector<16xf32>
        %swap3A_246 = arith.index_cast %add3A_230 : i32 to index
        %swap3A_247 = arith.constant 16 : index
        %swap3A_248 = tpu.vector_load %arg7[%swap3A_246, %swap3A_247] {strides = array<i32>} : memref<400x64xf32, #tpu.memory_space<vmem>>, vector<1x16xf32>,
        %swap3A_249 = vector.shape_cast %swap3A_248 : vector<1x16xf32> to vector<16xf32>
        %swap3A_250 = vector.shape_cast %add3A_245 : vector<16xf32> to vector<1x16xf32>
        tpu.vector_store %arg7[%swap3A_246, %swap3A_247], %swap3A_250 {strides = array<i32>} : memref<400x64xf32, #tpu.memory_space<vmem>>, vector<1x16xf32>,
        %get3A_251 = arith.index_cast %add3A_230 : i32 to index
        %get3A_252 = arith.constant 32 : index
        %get3A_253 = tpu.vector_load %arg7[%get3A_251, %get3A_252] {strides = array<i32>} : memref<400x64xf32, #tpu.memory_space<vmem>>, vector<1x16xf32>,
        %get3A_254 = vector.shape_cast %get3A_253 : vector<1x16xf32> to vector<16xf32>
        %add3A_255 = arith.addf %get3A_254, %get3A_183 : vector<16xf32>
        %swap3A_256 = arith.index_cast %add3A_230 : i32 to index
        %swap3A_257 = arith.constant 32 : index
        %swap3A_258 = tpu.vector_load %arg7[%swap3A_256, %swap3A_257] {strides = array<i32>} : memref<400x64xf32, #tpu.memory_space<vmem>>, vector<1x16xf32>,
        %swap3A_259 = vector.shape_cast %swap3A_258 : vector<1x16xf32> to vector<16xf32>
        %swap3A_260 = vector.shape_cast %add3A_255 : vector<16xf32> to vector<1x16xf32>
        tpu.vector_store %arg7[%swap3A_256, %swap3A_257], %swap3A_260 {strides = array<i32>} : memref<400x64xf32, #tpu.memory_space<vmem>>, vector<1x16xf32>,
        %get3A_261 = arith.index_cast %add3A_230 : i32 to index
        %get3A_262 = arith.constant 48 : index
        %get3A_263 = tpu.vector_load %arg7[%get3A_261, %get3A_262] {strides = array<i32>} : memref<400x64xf32, #tpu.memory_space<vmem>>, vector<1x16xf32>,
        %get3A_264 = vector.shape_cast %get3A_263 : vector<1x16xf32> to vector<16xf32>
        %add3A_265 = arith.addf %get3A_264, %get3A_187 : vector<16xf32>
        %swap3A_266 = arith.index_cast %add3A_230 : i32 to index
        %swap3A_267 = arith.constant 48 : index
        %swap3A_268 = tpu.vector_load %arg7[%swap3A_266, %swap3A_267] {strides = array<i32>} : memref<400x64xf32, #tpu.memory_space<vmem>>, vector<1x16xf32>,
        %swap3A_269 = vector.shape_cast %swap3A_268 : vector<1x16xf32> to vector<16xf32>
        %swap3A_270 = vector.shape_cast %add3A_265 : vector<16xf32> to vector<1x16xf32>
        tpu.vector_store %arg7[%swap3A_266, %swap3A_267], %swap3A_270 {strides = array<i32>} : memref<400x64xf32, #tpu.memory_space<vmem>>, vector<1x16xf32>,
      }
      %scan3A_122 = arith.constant 200 : i32
      %mul3A_123 = arith.constant 64 : i32
      %mul3A_124 = arith.muli %add3A, %mul3A_123 : i32
      %add3A_125 = arith.addi %mul3A_124, %add3A_55 : i32
      %mul3A_126 = arith.constant 400 : i32
      %mul3A_127 = arith.muli %add3A_125, %mul3A_126 : i32
      %multiple_of3A_128 = tpu.assume_multiple %mul3A_127, 8 : i32
      %dma_start3A_129 = arith.constant 0 : i32
      %dma_start3A_130 = tpu.memref_slice %arg5[%multiple_of3A_128, %dma_start3A_129] : memref<819200x64xf32, #tpu.memory_space<hbm>> -> memref<400x64xf32, #tpu.memory_space<hbm>>
      %dma_start3A_131 = arith.constant 0 : i32
      %dma_start3A_132 = tpu.memref_slice %arg5[%multiple_of3A_128, %dma_start3A_131] : memref<819200x64xf32, #tpu.memory_space<hbm>> -> memref<400x64xf32, #tpu.memory_space<hbm>>
      tpu.enqueue_dma source(%arg7 : memref<400x64xf32, #tpu.memory_space<vmem>>) target(%dma_start3A_132 : memref<400x64xf32, #tpu.memory_space<hbm>>) target_semaphore(%arg12 : memref<!tpu.dma_semaphore, #tpu.memory_space<semaphore_mem>>)
      %dma_wait3A_133 = arith.constant 0 : i32
      %dma_wait3A_134 = arith.constant 0 : i32
      %dma_wait3A_135 = tpu.memref_slice %arg5[%dma_wait3A_133, %dma_wait3A_134] : memref<819200x64xf32, #tpu.memory_space<hbm>> -> memref<400x64xf32, #tpu.memory_space<hbm>>
      %dma_wait3A_136 = arith.constant 0 : i32
      %dma_wait3A_137 = arith.constant 0 : i32
      %dma_wait3A_138 = tpu.memref_slice %arg5[%dma_wait3A_136, %dma_wait3A_137] : memref<819200x64xf32, #tpu.memory_space<hbm>> -> memref<400x64xf32, #tpu.memory_space<hbm>>
      tpu.wait_dma2 semaphore(%arg12 : memref<!tpu.dma_semaphore, #tpu.memory_space<semaphore_mem>>) src(%arg7 : memref<400x64xf32, #tpu.memory_space<vmem>>) dst(%dma_wait3A_138 : memref<400x64xf32, #tpu.memory_space<hbm>>)
      %add3A_139 = arith.constant 2 : i32
      %add3A_140 = arith.addi %add3A_55, %add3A_139 : i32
      %lt3A = arith.constant 64 : i32
      %lt3A_141 = arith.cmpi slt, %add3A_140, %lt3A : i32
      %convert_element_type3A_142 = arith.extui %lt3A_141 : i1 to i32
      %cond3A_143 = arith.constant 0 : i32
      %cond3A_144 = arith.cmpi ne, %convert_element_type3A_142, %cond3A_143 : i32
      scf.if %cond3A_144 {
        %add3A_168 = arith.constant 2 : i32
        %add3A_169 = arith.addi %add3A_55, %add3A_168 : i32
        %mul3A_170 = arith.constant 4 : i32
        %mul3A_171 = arith.muli %add3A_169, %mul3A_170 : i32
        %add3A_172 = arith.constant 0 : i32
        %add3A_173 = arith.addi %mul3A_171, %add3A_172 : i32
        %dma_start3A_174 = arith.constant 0 : i32
        %dma_start3A_175 = arith.constant 0 : i32
        %dma_start3A_176 = tpu.memref_slice %arg7[%dma_start3A_174, %dma_start3A_175] : memref<400x64xf32, #tpu.memory_space<vmem>> -> memref<100x64xf32, #tpu.memory_space<vmem>>
        %dma_start3A_177 = arith.constant 0 : i32
        %dma_start3A_178 = tpu.memref_slice %arg6[%add3A_173, %dma_start3A_177] : memref<256x100xi32, #tpu.memory_space<vmem>> -> memref<1x100xi32, #tpu.memory_space<vmem>>
        %dma_start3A_179 = tpu.memref_squeeze %dma_start3A_178 : memref<1x100xi32, #tpu.memory_space<vmem>> -> memref<100xi32, #tpu.memory_space<vmem>>
        %dma_start3A_180 = arith.constant 0 : i32
        %dma_start3A_181 = arith.constant 0 : i32
        %dma_start3A_182 = tpu.memref_slice %arg2[%dma_start3A_180, %dma_start3A_181] : memref<1000000x64xf32, #tpu.memory_space<hbm>> -> memref<1000000x64xf32, #tpu.memory_space<hbm>>
        tpu.enqueue_indirect_dma source(%dma_start3A_182 : memref<1000000x64xf32, #tpu.memory_space<hbm>>) target(%dma_start3A_176 : memref<100x64xf32, #tpu.memory_space<vmem>>) offsets(%dma_start3A_179 : memref<100xi32, #tpu.memory_space<vmem>>) semaphore(%arg10 : memref<!tpu.dma_semaphore, #tpu.memory_space<semaphore_mem>>)
        %mul3A_183 = arith.constant 4 : i32
        %mul3A_184 = arith.muli %add3A_169, %mul3A_183 : i32
        %add3A_185 = arith.constant 1 : i32
        %add3A_186 = arith.addi %mul3A_184, %add3A_185 : i32
        %dma_start3A_187 = arith.constant 100 : i32
        %dma_start3A_188 = arith.constant 0 : i32
        %dma_start3A_189 = tpu.memref_slice %arg7[%dma_start3A_187, %dma_start3A_188] : memref<400x64xf32, #tpu.memory_space<vmem>> -> memref<100x64xf32, #tpu.memory_space<vmem>>
        %dma_start3A_190 = arith.constant 0 : i32
        %dma_start3A_191 = tpu.memref_slice %arg6[%add3A_186, %dma_start3A_190] : memref<256x100xi32, #tpu.memory_space<vmem>> -> memref<1x100xi32, #tpu.memory_space<vmem>>
        %dma_start3A_192 = tpu.memref_squeeze %dma_start3A_191 : memref<1x100xi32, #tpu.memory_space<vmem>> -> memref<100xi32, #tpu.memory_space<vmem>>
        %dma_start3A_193 = arith.constant 0 : i32
        %dma_start3A_194 = arith.constant 0 : i32
        %dma_start3A_195 = tpu.memref_slice %arg2[%dma_start3A_193, %dma_start3A_194] : memref<1000000x64xf32, #tpu.memory_space<hbm>> -> memref<1000000x64xf32, #tpu.memory_space<hbm>>
        tpu.enqueue_indirect_dma source(%dma_start3A_195 : memref<1000000x64xf32, #tpu.memory_space<hbm>>) target(%dma_start3A_189 : memref<100x64xf32, #tpu.memory_space<vmem>>) offsets(%dma_start3A_192 : memref<100xi32, #tpu.memory_space<vmem>>) semaphore(%arg10 : memref<!tpu.dma_semaphore, #tpu.memory_space<semaphore_mem>>)
        %mul3A_196 = arith.constant 4 : i32
        %mul3A_197 = arith.muli %add3A_169, %mul3A_196 : i32
        %add3A_198 = arith.constant 2 : i32
        %add3A_199 = arith.addi %mul3A_197, %add3A_198 : i32
        %dma_start3A_200 = arith.constant 200 : i32
        %dma_start3A_201 = arith.constant 0 : i32
        %dma_start3A_202 = tpu.memref_slice %arg7[%dma_start3A_200, %dma_start3A_201] : memref<400x64xf32, #tpu.memory_space<vmem>> -> memref<100x64xf32, #tpu.memory_space<vmem>>
        %dma_start3A_203 = arith.constant 0 : i32
        %dma_start3A_204 = tpu.memref_slice %arg6[%add3A_199, %dma_start3A_203] : memref<256x100xi32, #tpu.memory_space<vmem>> -> memref<1x100xi32, #tpu.memory_space<vmem>>
        %dma_start3A_205 = tpu.memref_squeeze %dma_start3A_204 : memref<1x100xi32, #tpu.memory_space<vmem>> -> memref<100xi32, #tpu.memory_space<vmem>>
        %dma_start3A_206 = arith.constant 0 : i32
        %dma_start3A_207 = arith.constant 0 : i32
        %dma_start3A_208 = tpu.memref_slice %arg2[%dma_start3A_206, %dma_start3A_207] : memref<1000000x64xf32, #tpu.memory_space<hbm>> -> memref<1000000x64xf32, #tpu.memory_space<hbm>>
        tpu.enqueue_indirect_dma source(%dma_start3A_208 : memref<1000000x64xf32, #tpu.memory_space<hbm>>) target(%dma_start3A_202 : memref<100x64xf32, #tpu.memory_space<vmem>>) offsets(%dma_start3A_205 : memref<100xi32, #tpu.memory_space<vmem>>) semaphore(%arg10 : memref<!tpu.dma_semaphore, #tpu.memory_space<semaphore_mem>>)
        %mul3A_209 = arith.constant 4 : i32
        %mul3A_210 = arith.muli %add3A_169, %mul3A_209 : i32
        %add3A_211 = arith.constant 3 : i32
        %add3A_212 = arith.addi %mul3A_210, %add3A_211 : i32
        %dma_start3A_213 = arith.constant 300 : i32
        %dma_start3A_214 = arith.constant 0 : i32
        %dma_start3A_215 = tpu.memref_slice %arg7[%dma_start3A_213, %dma_start3A_214] : memref<400x64xf32, #tpu.memory_space<vmem>> -> memref<100x64xf32, #tpu.memory_space<vmem>>
        %dma_start3A_216 = arith.constant 0 : i32
        %dma_start3A_217 = tpu.memref_slice %arg6[%add3A_212, %dma_start3A_216] : memref<256x100xi32, #tpu.memory_space<vmem>> -> memref<1x100xi32, #tpu.memory_space<vmem>>
        %dma_start3A_218 = tpu.memref_squeeze %dma_start3A_217 : memref<1x100xi32, #tpu.memory_space<vmem>> -> memref<100xi32, #tpu.memory_space<vmem>>
        %dma_start3A_219 = arith.constant 0 : i32
        %dma_start3A_220 = arith.constant 0 : i32
        %dma_start3A_221 = tpu.memref_slice %arg2[%dma_start3A_219, %dma_start3A_220] : memref<1000000x64xf32, #tpu.memory_space<hbm>> -> memref<1000000x64xf32, #tpu.memory_space<hbm>>
        tpu.enqueue_indirect_dma source(%dma_start3A_221 : memref<1000000x64xf32, #tpu.memory_space<hbm>>) target(%dma_start3A_215 : memref<100x64xf32, #tpu.memory_space<vmem>>) offsets(%dma_start3A_218 : memref<100xi32, #tpu.memory_space<vmem>>) semaphore(%arg10 : memref<!tpu.dma_semaphore, #tpu.memory_space<semaphore_mem>>)
      } else {
      }
      %dma_wait3A_145 = arith.constant 0 : i32
      %dma_wait3A_146 = arith.constant 0 : i32
      %dma_wait3A_147 = tpu.memref_slice %arg2[%dma_wait3A_145, %dma_wait3A_146] : memref<1000000x64xf32, #tpu.memory_space<hbm>> -> memref<400x64xf32, #tpu.memory_space<hbm>>
      %dma_wait3A_148 = arith.constant 0 : i32
      %dma_wait3A_149 = arith.constant 0 : i32
      %dma_wait3A_150 = tpu.memref_slice %arg2[%dma_wait3A_148, %dma_wait3A_149] : memref<1000000x64xf32, #tpu.memory_space<hbm>> -> memref<400x64xf32, #tpu.memory_space<hbm>>
      tpu.wait_dma2 semaphore(%arg11 : memref<!tpu.dma_semaphore, #tpu.memory_space<semaphore_mem>>) src(%dma_wait3A_150 : memref<400x64xf32, #tpu.memory_space<hbm>>) dst(%arg8 : memref<400x64xf32, #tpu.memory_space<vmem>>)
      %scan3A_151 = arith.constant 0 : i32
      %scan3A_152 = arith.constant 200 : i32
      %scan3A_153 = arith.addi %scan3A_151, %scan3A_152 : i32
      %scan3A_154 = arith.constant 1 : i32
      scf.for %scan3A_168 = %scan3A_151 to %scan3A_153 step %scan3A_154  : i32 {
        %mul3A_169 = arith.constant 1 : i32
        %mul3A_170 = arith.muli %scan3A_168, %mul3A_169 : i32
        %add3A_171 = arith.constant 0 : i32
        %add3A_172 = arith.addi %add3A_171, %mul3A_170 : i32
        %get3A = arith.index_cast %add3A_172 : i32 to index
        %get3A_173 = arith.constant 0 : index
        %get3A_174 = tpu.vector_load %arg9[%get3A, %get3A_173] {strides = array<i32>} : memref<200x64xf32, #tpu.memory_space<vmem>>, vector<1x16xf32>,
        %get3A_175 = vector.shape_cast %get3A_174 : vector<1x16xf32> to vector<16xf32>
        %get3A_176 = arith.index_cast %add3A_172 : i32 to index
        %get3A_177 = arith.constant 16 : index
        %get3A_178 = tpu.vector_load %arg9[%get3A_176, %get3A_177] {strides = array<i32>} : memref<200x64xf32, #tpu.memory_space<vmem>>, vector<1x16xf32>,
        %get3A_179 = vector.shape_cast %get3A_178 : vector<1x16xf32> to vector<16xf32>
        %get3A_180 = arith.index_cast %add3A_172 : i32 to index
        %get3A_181 = arith.constant 32 : index
        %get3A_182 = tpu.vector_load %arg9[%get3A_180, %get3A_181] {strides = array<i32>} : memref<200x64xf32, #tpu.memory_space<vmem>>, vector<1x16xf32>,
        %get3A_183 = vector.shape_cast %get3A_182 : vector<1x16xf32> to vector<16xf32>
        %get3A_184 = arith.index_cast %add3A_172 : i32 to index
        %get3A_185 = arith.constant 48 : index
        %get3A_186 = tpu.vector_load %arg9[%get3A_184, %get3A_185] {strides = array<i32>} : memref<200x64xf32, #tpu.memory_space<vmem>>, vector<1x16xf32>,
        %get3A_187 = vector.shape_cast %get3A_186 : vector<1x16xf32> to vector<16xf32>
        %add3A_188 = arith.constant 0 : i32
        %add3A_189 = arith.addi %add3A_188, %add3A_172 : i32
        %get3A_190 = arith.index_cast %add3A_189 : i32 to index
        %get3A_191 = arith.constant 0 : index
        %get3A_192 = tpu.vector_load %arg8[%get3A_190, %get3A_191] {strides = array<i32>} : memref<400x64xf32, #tpu.memory_space<vmem>>, vector<1x16xf32>,
        %get3A_193 = vector.shape_cast %get3A_192 : vector<1x16xf32> to vector<16xf32>
        %add3A_194 = arith.addf %get3A_193, %get3A_175 : vector<16xf32>
        %swap3A = arith.index_cast %add3A_189 : i32 to index
        %swap3A_195 = arith.constant 0 : index
        %swap3A_196 = tpu.vector_load %arg8[%swap3A, %swap3A_195] {strides = array<i32>} : memref<400x64xf32, #tpu.memory_space<vmem>>, vector<1x16xf32>,
        %swap3A_197 = vector.shape_cast %swap3A_196 : vector<1x16xf32> to vector<16xf32>
        %swap3A_198 = vector.shape_cast %add3A_194 : vector<16xf32> to vector<1x16xf32>
        tpu.vector_store %arg8[%swap3A, %swap3A_195], %swap3A_198 {strides = array<i32>} : memref<400x64xf32, #tpu.memory_space<vmem>>, vector<1x16xf32>,
        %get3A_199 = arith.index_cast %add3A_189 : i32 to index
        %get3A_200 = arith.constant 16 : index
        %get3A_201 = tpu.vector_load %arg8[%get3A_199, %get3A_200] {strides = array<i32>} : memref<400x64xf32, #tpu.memory_space<vmem>>, vector<1x16xf32>,
        %get3A_202 = vector.shape_cast %get3A_201 : vector<1x16xf32> to vector<16xf32>
        %add3A_203 = arith.addf %get3A_202, %get3A_179 : vector<16xf32>
        %swap3A_204 = arith.index_cast %add3A_189 : i32 to index
        %swap3A_205 = arith.constant 16 : index
        %swap3A_206 = tpu.vector_load %arg8[%swap3A_204, %swap3A_205] {strides = array<i32>} : memref<400x64xf32, #tpu.memory_space<vmem>>, vector<1x16xf32>,
        %swap3A_207 = vector.shape_cast %swap3A_206 : vector<1x16xf32> to vector<16xf32>
        %swap3A_208 = vector.shape_cast %add3A_203 : vector<16xf32> to vector<1x16xf32>
        tpu.vector_store %arg8[%swap3A_204, %swap3A_205], %swap3A_208 {strides = array<i32>} : memref<400x64xf32, #tpu.memory_space<vmem>>, vector<1x16xf32>,
        %get3A_209 = arith.index_cast %add3A_189 : i32 to index
        %get3A_210 = arith.constant 32 : index
        %get3A_211 = tpu.vector_load %arg8[%get3A_209, %get3A_210] {strides = array<i32>} : memref<400x64xf32, #tpu.memory_space<vmem>>, vector<1x16xf32>,
        %get3A_212 = vector.shape_cast %get3A_211 : vector<1x16xf32> to vector<16xf32>
        %add3A_213 = arith.addf %get3A_212, %get3A_183 : vector<16xf32>
        %swap3A_214 = arith.index_cast %add3A_189 : i32 to index
        %swap3A_215 = arith.constant 32 : index
        %swap3A_216 = tpu.vector_load %arg8[%swap3A_214, %swap3A_215] {strides = array<i32>} : memref<400x64xf32, #tpu.memory_space<vmem>>, vector<1x16xf32>,
        %swap3A_217 = vector.shape_cast %swap3A_216 : vector<1x16xf32> to vector<16xf32>
        %swap3A_218 = vector.shape_cast %add3A_213 : vector<16xf32> to vector<1x16xf32>
        tpu.vector_store %arg8[%swap3A_214, %swap3A_215], %swap3A_218 {strides = array<i32>} : memref<400x64xf32, #tpu.memory_space<vmem>>, vector<1x16xf32>,
        %get3A_219 = arith.index_cast %add3A_189 : i32 to index
        %get3A_220 = arith.constant 48 : index
        %get3A_221 = tpu.vector_load %arg8[%get3A_219, %get3A_220] {strides = array<i32>} : memref<400x64xf32, #tpu.memory_space<vmem>>, vector<1x16xf32>,
        %get3A_222 = vector.shape_cast %get3A_221 : vector<1x16xf32> to vector<16xf32>
        %add3A_223 = arith.addf %get3A_222, %get3A_187 : vector<16xf32>
        %swap3A_224 = arith.index_cast %add3A_189 : i32 to index
        %swap3A_225 = arith.constant 48 : index
        %swap3A_226 = tpu.vector_load %arg8[%swap3A_224, %swap3A_225] {strides = array<i32>} : memref<400x64xf32, #tpu.memory_space<vmem>>, vector<1x16xf32>,
        %swap3A_227 = vector.shape_cast %swap3A_226 : vector<1x16xf32> to vector<16xf32>
        %swap3A_228 = vector.shape_cast %add3A_223 : vector<16xf32> to vector<1x16xf32>
        tpu.vector_store %arg8[%swap3A_224, %swap3A_225], %swap3A_228 {strides = array<i32>} : memref<400x64xf32, #tpu.memory_space<vmem>>, vector<1x16xf32>,
        %add3A_229 = arith.constant 200 : i32
        %add3A_230 = arith.addi %add3A_229, %add3A_172 : i32
        %get3A_231 = arith.index_cast %add3A_230 : i32 to index
        %get3A_232 = arith.constant 0 : index
        %get3A_233 = tpu.vector_load %arg8[%get3A_231, %get3A_232] {strides = array<i32>} : memref<400x64xf32, #tpu.memory_space<vmem>>, vector<1x16xf32>,
        %get3A_234 = vector.shape_cast %get3A_233 : vector<1x16xf32> to vector<16xf32>
        %add3A_235 = arith.addf %get3A_234, %get3A_175 : vector<16xf32>
        %swap3A_236 = arith.index_cast %add3A_230 : i32 to index
        %swap3A_237 = arith.constant 0 : index
        %swap3A_238 = tpu.vector_load %arg8[%swap3A_236, %swap3A_237] {strides = array<i32>} : memref<400x64xf32, #tpu.memory_space<vmem>>, vector<1x16xf32>,
        %swap3A_239 = vector.shape_cast %swap3A_238 : vector<1x16xf32> to vector<16xf32>
        %swap3A_240 = vector.shape_cast %add3A_235 : vector<16xf32> to vector<1x16xf32>
        tpu.vector_store %arg8[%swap3A_236, %swap3A_237], %swap3A_240 {strides = array<i32>} : memref<400x64xf32, #tpu.memory_space<vmem>>, vector<1x16xf32>,
        %get3A_241 = arith.index_cast %add3A_230 : i32 to index
        %get3A_242 = arith.constant 16 : index
        %get3A_243 = tpu.vector_load %arg8[%get3A_241, %get3A_242] {strides = array<i32>} : memref<400x64xf32, #tpu.memory_space<vmem>>, vector<1x16xf32>,
        %get3A_244 = vector.shape_cast %get3A_243 : vector<1x16xf32> to vector<16xf32>
        %add3A_245 = arith.addf %get3A_244, %get3A_179 : vector<16xf32>
        %swap3A_246 = arith.index_cast %add3A_230 : i32 to index
        %swap3A_247 = arith.constant 16 : index
        %swap3A_248 = tpu.vector_load %arg8[%swap3A_246, %swap3A_247] {strides = array<i32>} : memref<400x64xf32, #tpu.memory_space<vmem>>, vector<1x16xf32>,
        %swap3A_249 = vector.shape_cast %swap3A_248 : vector<1x16xf32> to vector<16xf32>
        %swap3A_250 = vector.shape_cast %add3A_245 : vector<16xf32> to vector<1x16xf32>
        tpu.vector_store %arg8[%swap3A_246, %swap3A_247], %swap3A_250 {strides = array<i32>} : memref<400x64xf32, #tpu.memory_space<vmem>>, vector<1x16xf32>,
        %get3A_251 = arith.index_cast %add3A_230 : i32 to index
        %get3A_252 = arith.constant 32 : index
        %get3A_253 = tpu.vector_load %arg8[%get3A_251, %get3A_252] {strides = array<i32>} : memref<400x64xf32, #tpu.memory_space<vmem>>, vector<1x16xf32>,
        %get3A_254 = vector.shape_cast %get3A_253 : vector<1x16xf32> to vector<16xf32>
        %add3A_255 = arith.addf %get3A_254, %get3A_183 : vector<16xf32>
        %swap3A_256 = arith.index_cast %add3A_230 : i32 to index
        %swap3A_257 = arith.constant 32 : index
        %swap3A_258 = tpu.vector_load %arg8[%swap3A_256, %swap3A_257] {strides = array<i32>} : memref<400x64xf32, #tpu.memory_space<vmem>>, vector<1x16xf32>,
        %swap3A_259 = vector.shape_cast %swap3A_258 : vector<1x16xf32> to vector<16xf32>
        %swap3A_260 = vector.shape_cast %add3A_255 : vector<16xf32> to vector<1x16xf32>
        tpu.vector_store %arg8[%swap3A_256, %swap3A_257], %swap3A_260 {strides = array<i32>} : memref<400x64xf32, #tpu.memory_space<vmem>>, vector<1x16xf32>,
        %get3A_261 = arith.index_cast %add3A_230 : i32 to index
        %get3A_262 = arith.constant 48 : index
        %get3A_263 = tpu.vector_load %arg8[%get3A_261, %get3A_262] {strides = array<i32>} : memref<400x64xf32, #tpu.memory_space<vmem>>, vector<1x16xf32>,
        %get3A_264 = vector.shape_cast %get3A_263 : vector<1x16xf32> to vector<16xf32>
        %add3A_265 = arith.addf %get3A_264, %get3A_187 : vector<16xf32>
        %swap3A_266 = arith.index_cast %add3A_230 : i32 to index
        %swap3A_267 = arith.constant 48 : index
        %swap3A_268 = tpu.vector_load %arg8[%swap3A_266, %swap3A_267] {strides = array<i32>} : memref<400x64xf32, #tpu.memory_space<vmem>>, vector<1x16xf32>,
        %swap3A_269 = vector.shape_cast %swap3A_268 : vector<1x16xf32> to vector<16xf32>
        %swap3A_270 = vector.shape_cast %add3A_265 : vector<16xf32> to vector<1x16xf32>
        tpu.vector_store %arg8[%swap3A_266, %swap3A_267], %swap3A_270 {strides = array<i32>} : memref<400x64xf32, #tpu.memory_space<vmem>>, vector<1x16xf32>,
      }
      %scan3A_155 = arith.constant 200 : i32
      %add3A_156 = arith.constant 1 : i32
      %add3A_157 = arith.addi %add3A_55, %add3A_156 : i32
      %mul3A_158 = arith.constant 64 : i32
      %mul3A_159 = arith.muli %add3A, %mul3A_158 : i32
      %add3A_160 = arith.addi %mul3A_159, %add3A_157 : i32
      %mul3A_161 = arith.constant 400 : i32
      %mul3A_162 = arith.muli %add3A_160, %mul3A_161 : i32
      %multiple_of3A_163 = tpu.assume_multiple %mul3A_162, 8 : i32
      %dma_start3A_164 = arith.constant 0 : i32
      %dma_start3A_165 = tpu.memref_slice %arg5[%multiple_of3A_163, %dma_start3A_164] : memref<819200x64xf32, #tpu.memory_space<hbm>> -> memref<400x64xf32, #tpu.memory_space<hbm>>
      %dma_start3A_166 = arith.constant 0 : i32
      %dma_start3A_167 = tpu.memref_slice %arg5[%multiple_of3A_163, %dma_start3A_166] : memref<819200x64xf32, #tpu.memory_space<hbm>> -> memref<400x64xf32, #tpu.memory_space<hbm>>
      tpu.enqueue_dma source(%arg8 : memref<400x64xf32, #tpu.memory_space<vmem>>) target(%dma_start3A_167 : memref<400x64xf32, #tpu.memory_space<hbm>>) target_semaphore(%arg12 : memref<!tpu.dma_semaphore, #tpu.memory_space<semaphore_mem>>)
    }
    %scan3A_45 = arith.constant 32 : i32
    %dma_wait3A = arith.constant 0 : i32
    %dma_wait3A_46 = arith.constant 0 : i32
    %dma_wait3A_47 = tpu.memref_slice %arg5[%dma_wait3A, %dma_wait3A_46] : memref<819200x64xf32, #tpu.memory_space<hbm>> -> memref<400x64xf32, #tpu.memory_space<hbm>>
    %dma_wait3A_48 = arith.constant 0 : i32
    %dma_wait3A_49 = arith.constant 0 : i32
    %dma_wait3A_50 = tpu.memref_slice %arg5[%dma_wait3A_48, %dma_wait3A_49] : memref<819200x64xf32, #tpu.memory_space<hbm>> -> memref<400x64xf32, #tpu.memory_space<hbm>>
    tpu.wait_dma2 semaphore(%arg12 : memref<!tpu.dma_semaphore, #tpu.memory_space<semaphore_mem>>) src(%arg8 : memref<400x64xf32, #tpu.memory_space<vmem>>) dst(%dma_wait3A_50 : memref<400x64xf32, #tpu.memory_space<hbm>>)
    return
  }
}

</mosaic_0001>

<sc_bundles>
// kernel: kernel.3.cloned.1.call-start
scs
__scs_entry_jumppad:
0x0: {  	(pc) =	sbr.rel $0x88, $3  }
0x1: {  	(tag) =	ssettag $0x0;
	lr =	simm.s32 $0x1  }
0x2: {  	[smem:$0x3F9F] =	sst lr;
	_ =	strace $0xD0000000  }
0x3: {  	_ = 	snop  }
0x4: {  	_ = 	snop  }
0x5: {  	_ = 	snop  }
0x6: {  	_ = 	snop  }
0x7: {  	_ = 	snop  }
__scs_overlays_trampoline_lowered:
0x8: {  	[smem:$0x3FAE] =	sst s0  }
0x9: {  	[smem:$0x3FAF] =	sst s1  }
0xa: {  	[smem:$0x3FB0] =	sst s2  }
0xb: {  	[smem:$0x3FB1] =	sst s3  }
0xc: {  	[smem:$0x3FB2] =	sst s4  }
0xd: {  	[smem:$0x3FB3] =	sst s5  }
0xe: {  	[smem:$0x3FB4] =	sst s6  }
0xf: {  	[smem:$0x3FB5] =	sst s7  }
0x10: {  	[smem:$0x3FB6] =	sst s8  }
0x11: {  	[smem:$0x3FB7] =	sst s9;
	s0 =	simm.s32 @!p0 $0x0  }
0x12: {  	s1 =	sld [smem:$0x3F9D];
	s0 =	simm.s32 @p0 $0x1  }
0x13: {  	[smem:$0x3FB8] =	sst s0;
	s0 =	simm.s32 @!p1 $0x0  }
0x14: {  	s2 =	sld [smem:$0x3F9C];
	s0 =	simm.s32 @p1 $0x1  }
0x15: {  	[smem:$0x3FB9] =	sst s0;
	s0 =	simm.s32 @!p2 $0x0  }
0x16: {  	s3 =	sld [smem:$0x3FDB];
	s0 =	simm.s32 @p2 $0x1  }
0x17: {  	s4 =	simm.s32 $0x1BF5;
	[smem:$0x3FBB] =	sst s0  }
0x18: {  	s0 =	sld [smem:$0x3F9E];
	_ =	swait.ge [sflag:s4], $0x0  }
0x19: {  	s7 =	sld [smem:$0x3F9F]  }
0x1a: {  	s8 =	sadd.s32 $0xFFFFE003, lr  }
0x1b: {  	s9 =	sadd.s32 $0xFFFFFEF7, lr;
	s5 =	simm.s32 $0xFFFFFFFF;
	p2 =	slt.u32 s8, $0xFFFFF086  }
0x1c: {  	p1 =	slt.u32 s9, $0xF7A;
	s5 =	simm.s32 @!p2 $0x0  }
0x1d: {  	s5 =	simm.s32 @p1 $0x1;
	p0 =	seq.s32 s7, s2  }
0x1e: {  	s7 =	smul.u32 @!p0 $0xF7A, s2;
	p2 =	seq.s32 @!p0 s5, $0x0  }
0x1f: {  	s9 =	smul.u32 $0xF7A, s1;
	s8 =	simm.s32 @!p0 $0x1BF5;
	p2 =	por !p2, p0  }
0x20: {  	[sflag:s8] =	ssyncset.s32 @!p0 $0xFFFFF086;
	s6 =	sadd.s32 @!p0 s3, s7;
	s7 =	simm.s32 @!p0 $0x108  }
0x21: {  	s3 =	sadd.s32 s3, s9;
	s6 =	sadd.s32 @!p0 $0x88, s6;
	s7 =	simm.s32 @p2 $0x1082  }
0x22: {  	[simem:s7], [sflag:s8] =	dma.local @!p0 [hbm:s6], $0xF7A  }
0x23: {  	s9 =	sor.u32 $0xD0000000, s2;
	s6 =	simm.s32 $0x108;
	_ =	swait.ge @!p0 [sflag:s8], $0x0  }
0x24: {  	s3 =	sadd.s32 $0x88, s3;
	s6 =	simm.s32 @!p1 $0x1082;
	[sflag:s4] =	ssyncset.s32 $0xFFFFF086  }
0x25: {  	[simem:s6], [sflag:s4] =	dma.local [hbm:s3], $0xF7A  }
0x26: {  	[smem:$0x3F9F] =	sst s1;
	(tag) =	ssettag s2;
	_ =	strace s9  }
0x27: {  	s1 =	sld [smem:$0x3FAF]  }
0x28: {  	s2 =	sld [smem:$0x3FB0]  }
0x29: {  	s4 =	sld [smem:$0x3FB2]  }
0x2a: {  	p0 =	seq.s32 s5, $0x0;
	s5 =	sld [smem:$0x3FB3]  }
0x2b: {  	s6 =	sld [smem:$0x3FB4]  }
0x2c: {  	s7 =	sld [smem:$0x3FB5]  }
0x2d: {  	s3 =	simm.s32 $0x108;
	s8 =	sld [smem:$0x3FB6]  }
0x2e: {  	s3 =	simm.s32 @!p0 $0x1082;
	s9 =	sld [smem:$0x3FB7]  }
0x2f: {  	lr =	sadd.s32 s0, s3;
	s0 =	sld [smem:$0x3FAE]  }
0x30: {  	s3 =	sld [smem:$0x3FB1]  }
0x31: {  	[smem:$0x3FBA] =	sst s10  }
0x32: {  	s10 =	sld [smem:$0x3FB8];
	_ =	sdelay $0x3  }
0x33: {  	p0 =	seq.s32 s10, $0x1;
	s10 =	sld [smem:$0x3FBA];
	_ =	sdelay $0x3  }
0x34: {  	[smem:$0x3FBA] =	sst s10  }
0x35: {  	s10 =	sld [smem:$0x3FB9];
	_ =	sdelay $0x3  }
0x36: {  	p1 =	seq.s32 s10, $0x1;
	s10 =	sld [smem:$0x3FBA];
	_ =	sdelay $0x3  }
0x37: {  	[smem:$0x3FBA] =	sst s10  }
0x38: {  	s10 =	sld [smem:$0x3FBB]  }
0x39: {  	_ = 	snop;
	(pc) =	sbr.ind lr, $3  }
0x3a: {  	_ = 	snop  }
0x3b: {  	_ = 	snop  }
0x3c: {  	p2 =	seq.s32 s10, $0x1;
	s10 =	sld [smem:$0x3FBA]  }
0x3d: {  	_ =	shalt  }
0x3e: {  	_ =	shalt  }
0x3f: {  	_ =	shalt  }
0x40: {  	_ =	shalt  }
0x41: {  	_ =	shalt  }
0x42: {  	_ =	shalt  }
0x43: {  	_ =	shalt  }
0x44: {  	_ =	shalt  }
0x45: {  	_ =	shalt  }
0x46: {  	_ =	shalt  }
0x47: {  	_ =	shalt  }
0x48: {  	_ =	shalt  }
0x49: {  	_ =	shalt  }
0x4a: {  	_ =	shalt  }
0x4b: {  	_ =	shalt  }
0x4c: {  	_ =	shalt  }
0x4d: {  	_ =	shalt  }
0x4e: {  	_ =	shalt  }
0x4f: {  	_ =	shalt  }
0x50: {  	_ =	shalt  }
0x51: {  	_ =	shalt  }
0x52: {  	_ =	shalt  }
0x53: {  	_ =	shalt  }
0x54: {  	_ =	shalt  }
0x55: {  	_ =	shalt  }
0x56: {  	_ =	shalt  }
0x57: {  	_ =	shalt  }
0x58: {  	_ =	shalt  }
0x59: {  	_ =	shalt  }
0x5a: {  	_ =	shalt  }
0x5b: {  	_ =	shalt  }
0x5c: {  	_ =	shalt  }
0x5d: {  	_ =	shalt  }
0x5e: {  	_ =	shalt  }
0x5f: {  	_ =	shalt  }
0x60: {  	_ =	shalt  }
0x61: {  	_ =	shalt  }
0x62: {  	_ =	shalt  }
0x63: {  	_ =	shalt  }
0x64: {  	_ =	shalt  }
0x65: {  	_ =	shalt  }
0x66: {  	_ =	shalt  }
0x67: {  	_ =	shalt  }
0x68: {  	_ =	shalt  }
0x69: {  	_ =	shalt  }
0x6a: {  	_ =	shalt  }
0x6b: {  	_ =	shalt  }
0x6c: {  	_ =	shalt  }
0x6d: {  	_ =	shalt  }
0x6e: {  	_ =	shalt  }
0x6f: {  	_ =	shalt  }
0x70: {  	_ =	shalt  }
0x71: {  	_ =	shalt  }
0x72: {  	_ =	shalt  }
0x73: {  	_ =	shalt  }
0x74: {  	_ =	shalt  }
0x75: {  	_ =	shalt  }
0x76: {  	_ =	shalt  }
0x77: {  	_ =	shalt  }
0x78: {  	_ =	shalt  }
0x79: {  	_ =	shalt  }
0x7a: {  	_ =	shalt  }
0x7b: {  	_ =	shalt  }
0x7c: {  	_ =	shalt  }
0x7d: {  	_ =	shalt  }
0x7e: {  	_ =	shalt  }
0x7f: {  	_ =	shalt  }
0x80: {  	_ =	shalt  }
0x81: {  	_ =	shalt  }
0x82: {  	_ =	shalt  }
0x83: {  	_ =	shalt  }
0x84: {  	_ =	shalt  }
0x85: {  	_ =	shalt  }
0x86: {  	_ =	shalt  }
0x87: {  	_ =	shalt  }
.Lfunc_end0:
.L_simem_size_0:
called_computation.1_lowered:
.L_overlay_start_0:
0x88: {  	s2 =	sld [smem:$0x3FD9]  }
0x89: {  	s3 =	sld [smem:$0x3FFE];
	_ =	sdelay $0x1  }
0x8a: {  	s1 =	srdreg.scid  }
0x8b: {  	s0 =	sand.u32 $0x1, s1  }
0x8c: {  	s17 =	sshll.u32 s0, $0xA;
	s2 =	sadd.s32 s3, s2  }
0x8d: {  	s2 =	sadd.s32 s2, s17  }
0x8e: {  	[smem:$0x3FC6] =	sst s2  }
0x8f: {  	_ = 	snop  }
0x90: {  	s2 =	sld [smem:$0x3FD0];
	(tm) =	ssettm $0x1  }
0x91: {  	s18 =	sld [smem:$0x3FFB];
	_ =	sdelay $0x3  }
0x92: {  	_ =	strace s18  }
0x93: {  	s3 =	sld [smem:$0x3FFC];
	_ =	sdelay $0x3  }
0x94: {  	_ =	strace s3  }
0x95: {  	s3 =	sld [smem:$0x3FFD];
	_ =	sdelay $0x3  }
0x96: {  	_ =	strace s3  }
0x97: {  	_ =	strace $0x8FFFFFFF  }
0x98: {  	s19 =	sld [smem:$0x3FDB];
	_ =	sdelay $0x1  }
0x99: {  	s4 =	simm.s32 $_scs_section_size  }
0x9a: {  	s5 =	simm.s32 $_size__tile_overlayer_lowered;
	s6 =	simm.s32 $_tile_overlayer_lowered  }
0x9b: {  	s22 =	simm.s32 $0x1BFF;
	s21 =	sshll.u32 s6, $0x1;
	s3 =	sadd.s32 s4, s19  }
0x9c: {  	s7 =	simm.s32 $0x0;
	s20 =	sshll.u32 s5, $0x1;
	s5 =	sadd.s32 s21, s3  }
0x9d: {  	[timem:s7], [sflag:s22] =	dma.local [hbm:s5], s20  }
0x9e: {  	_ =	swait.ge [sflag:s22], s20  }
0x9f: {  	s4 =	ssub.s32 $0x0, s20;
	[sflag:s22] =	ssyncset.done $0x0  }
0xa0: {  	[sflag:s22] =	ssyncadd.s32 s4;
	_ =	sdelay $0x1  }
0xa1: {  	s23 =	simm.s32 $0x1B8B  }
0xa2: {  	_ =	swait.ge [sflag:s23], $0x1  }
0xa3: {  	[sflag:s23] =	ssyncset.done $0x0  }
0xa4: {  	s25 =	simm.s32 $0x1B8E;
	s24 =	sld [smem:$0x3FFE];
	[sflag:s23] =	ssyncadd.s32 $0xFFFFFFFF  }
0xa5: {  	s26 =	simm.s32 $execute0_lowered;
	[smem:$0x3FD2] =	sst s25  }
0xa6: {  	s5 =	sshll.u32 s26, $0x1;
	_ =	strace $0x80000046;
	[dreg:$0x1] =	wrdreg $0xFFFFFFFF  }
0xa7: {  	s28 =	simm.s32 $_size_execute0_lowered;
	s3 =	sadd.s32 s3, s5;
	[dreg:$0x0] =	wrdreg $0x0  }
0xa8: {  	s5 =	sshll.u32 s28, $0x1;
	[dreg:$0x2] =	wrdreg s3  }
0xa9: {  	[dreg:$0x3] =	wrdreg s5  }
0xaa: {  	[dreg:$0x4] =	wrdreg $0xC0  }
0xab: {  	_ =	task [dreg:s7], $0x5FFFF  }
0xac: {  	[dreg:$0x1] =	wrdreg $0xFFFFFFFF  }
0xad: {  	[dreg:$0x0] =	wrdreg $0x60  }
0xae: {  	[dreg:$0x2] =	wrdreg s24  }
0xaf: {  	[dreg:$0x3] =	wrdreg s2  }
0xb0: {  	[dreg:$0x4] =	wrdreg $0x9  }
0xb1: {  	_ =	task.clear_ibuf [dreg:s7], $0x5FFFF;
	_ =	strace $0x90000046  }
0xb2: {  	s29 =	simm.s32 $0x9;
	_ =	strace $0x80000048  }
0xb3: {  	_ =	swait.ge [sflag:s29], $0x1  }
0xb4: {  	[sflag:s29] =	ssyncadd.s32 $0xFFFFFFFF  }
0xb5: {  	_ =	strace $0x90000048  }
0xb6: {  	_ =	sfence  }
0xb7: {  	s30 =	sld [smem:$0x0];
	_ =	sdelay $0x2  }
0xb8: {  	s31 =	sshll.u32 s1, $0xD;
	s1 =	sshrl.u32 s1, $0x2  }
0xb9: {  	s3 =	sand.u32 $0x4000, s31;
	s1 =	sadd.s32 s1, s30  }
0xba: {  	s0 =	sor.u32 s3, s0;
	s1 =	sshll.u32 s1, $0x11  }
0xbb: {  	s0 =	sor.u32 s1, s0  }
0xbc: {  	s0 =	sadd.s32 $0x8F2B, s0  }
0xbd: {  	[sflag:s0] =	ssyncadd.remote.s32 $0x1  }
0xbe: {  	_ =	sfence.sel $0xFFFF  }
0xbf: {  	[dreg:$0x0] =	wrdreg $0xFFFFFFFF;
	(pc) =	sbr.abs _section_cstart, $3  }
0xc0: {  	[dreg:$0x1] =	wrdreg $0xFFFFFFFF  }
0xc1: {  	_ =	task.clear_ibuf [dreg:s7], $0x2FFFF;
	_ =	strace $0x9FFFFFFF  }
0xc2: {  	(tm) =	ssettm $0x7FFFFFFF  }
0xc3: {  	_ =	shalt  }
tec
execute0_lowered:
.L_overlay_start_1:
0x0: {  	(tag) =	ssettag $0x1  }
0x1: {  	s1 =	rddreg [dreg:$0x0];
	s3 =	srdreg.scid  }
0x2: {  	s0 =	stileid.u32;
	s2 =	rddreg [dreg:$0x1];
	s10 =	simm.s32 $0x13000  }
0x3: {  	s11 =	simm.s32 $0x64;
	s12 =	simm.s32 $0x6800;
	s13 =	simm.s32 $0x68  }
0x4: {  	s14 =	simm.s32 $0x8100;
	s15 =	simm.s32 $0xD0;
	s16 =	simm.s32 $0x9A00  }
0x5: {  	s17 =	simm.s32 $0x138;
	s18 =	simm.s32 $0xB300;
	s19 =	simm.s32 $0xCC00  }
0x6: {  	s20 =	simm.s32 $0xE500;
	s21 =	simm.s32 $0xFE00;
	s22 =	simm.s32 $0x11700  }
0x7: {  	s23 =	simm.s32 $0x1;
	s24 =	simm.s32 $0x3;
	s25 =	simm.s32 $0x2  }
0x8: {  	s4 =	sand.u32 $0x1, s3;
	s5 =	sshll.u32 s0, $0x1;
	s3 =	simm.s32 $0x0  }
0x9: {  	s26 =	simm.s32 $0x0;
	s7 =	sor.u32 s4, s5;
	[smem:$0x7FF] =	sst s3  }
0xa: {  	s6 =	ssub.s32 $0x2, s4;
	s4 =	sadd.s32 $0xF43000, s1;
	s5 =	smul.u32 $0xD00, s7  }
0xb: {  	_ =	strace $0x80000047;
	s8 =	sshrl.u32 s6, $0x1;
	s7 =	sshll.u32 s7, $0x6  }
0xc: {  	s31 =	ssub.s32 s6, s8;
	s9 =	sadd.s32 s5, s1;
	s5 =	sadd.s32 $0x1AC00, s1  }
0xd: {  	s8 =	smax.u32 s31, $0x1;
	s6 =	sadd.s32 $0xC00, s9;
	s9 =	simm.s32 $0x4  }
.LBB2_1:
0xe: {  	[tilespmem:s3], [sflag:$0x4] =	stream.linear.gather [hbm4b:s6+s3], $0x6800, $0x38;
	[tilespmem:$0x16200] =	vst v63  }
0xf: {  	_ =	swait.ge [sflag:s9], $0x6800  }
0x10: {  	[sflag:s9] =	ssyncset.done $0x0  }
0x11: {  	[sflag:s9] =	ssyncadd.s32 $0xFFFF9800  }
0x12: {  	[tilespmem:s10], [sflag:$0x4] =	stream.linear.gather [hbm4b:s5+s3], $0x3200, $0x38;
	[tilespmem:$0x16200] =	vst v63  }
0x13: {  	_ =	swait.ge [sflag:s9], $0x3200  }
0x14: {  	[sflag:s9] =	ssyncset.done $0x0  }
0x15: {  	[sflag:s9] =	ssyncadd.s32 $0xFFFFCE00  }
0x16: {  	[tilespmem:s12], [sflag:$0x1] =	stream.indirect.gather [hbm4b:s4+s11], $0x40, s3, s11, $0xb8;
	[tilespmem:$0x16200] =	vst v63  }
0x17: {  	_ = 	snop  }
0x18: {  	[tilespmem:s14], [sflag:$0x1] =	stream.indirect.gather [hbm4b:s4+s11], $0x40, s13, s11, $0xb8;
	[tilespmem:$0x16200] =	vst v63  }
0x19: {  	_ = 	snop  }
0x1a: {  	[tilespmem:s16], [sflag:$0x1] =	stream.indirect.gather [hbm4b:s4+s11], $0x40, s15, s11, $0xb8;
	[tilespmem:$0x16200] =	vst v63  }
0x1b: {  	s28 =	simm.s32 $0x0  }
0x1c: {  	[tilespmem:s18], [sflag:$0x1] =	stream.indirect.gather [hbm4b:s4+s11], $0x40, s17, s11, $0xb8;
	[tilespmem:$0x16200] =	vst v63  }
.LBB2_2:
0x1d: {  	s30 =	sshll.u32 s28, $0x1;
	p0 =	seq.s32 s28, $0x0  }
0x1e: {  	s1 =	simm.s32 @!p0 $0x3;
	s29 =	sor.u32 $0x1, s30  }
0x1f: {  	_ =	swait.ge @!p0 [sflag:s1], $0x6400;
	s31 =	smul.u32 $0x680, s29  }
0x20: {  	[sflag:s1] =	ssyncset.done @!p0 $0x0  }
0x21: {  	[sflag:s1] =	ssyncadd.s32 @!p0 $0xFFFF9C00;
	s0 =	sshra.s32 s31, $0x2  }
0x22: {  	[tilespmem:s19], [sflag:$0x2] =	stream.indirect.gather [hbm4b:s4+s11], $0x40, s0, s11, $0xb8;
	[tilespmem:$0x16200] =	vst v63  }
0x23: {  	s31 =	sadd.s32 $0x68, s0  }
0x24: {  	[tilespmem:s20], [sflag:$0x2] =	stream.indirect.gather [hbm4b:s4+s11], $0x40, s31, s11, $0xb8;
	[tilespmem:$0x16200] =	vst v63  }
0x25: {  	s31 =	sadd.s32 $0xD0, s0  }
0x26: {  	[tilespmem:s21], [sflag:$0x2] =	stream.indirect.gather [hbm4b:s4+s11], $0x40, s31, s11, $0xb8;
	[tilespmem:$0x16200] =	vst v63  }
0x27: {  	s1 =	sadd.s32 $0x138, s0  }
0x28: {  	[tilespmem:s22], [sflag:$0x2] =	stream.indirect.gather [hbm4b:s4+s11], $0x40, s1, s11, $0xb8;
	[tilespmem:$0x16200] =	vst v63  }
0x29: {  	_ =	swait.ge [sflag:s23], $0x6400  }
0x2a: {  	[sflag:s23] =	ssyncset.done $0x0  }
0x2b: {  	s31 =	simm.s32 $0x0;
	[sflag:s23] =	ssyncadd.s32 $0xFFFF9C00  }
0x2c: {  	v3 =	vld [tilespmem:s31+$0x13000]  }
0x2d: {  	v2 =	vld [tilespmem:s31+$0x13010]  }
0x2e: {  	v1 =	vld [tilespmem:s31+$0x13020]  }
0x2f: {  	v0 =	vld [tilespmem:s31+$0x13030]  }
0x30: {  	v5 =	vld [tilespmem:s31+$0x6800]  }
0x31: {  	v9 =	vld [tilespmem:s31+$0x6810]  }
0x32: {  	v8 =	vld [tilespmem:s31+$0x6820]  }
0x33: {  	v7 =	vld [tilespmem:s31+$0x6830]  }
0x34: {  	v6 =	vld [tilespmem:s31+$0x9A00]  }
0x35: {  	v4 =	vld [tilespmem:s31+$0x9A10];
	v10 =	vadd.f32 v5, v3  }
0x36: {  	s1 =	simm.s32 $0x100;
	v9 =	vadd.f32 v9, v2;
	v5 =	vld [tilespmem:s31+$0x9A20]  }
.LBB2_3:
0x37: {  	s0 =	sshra.s32 s1, $0x2;
	p0 =	sne.s32 s1, $0xC700;
	[tilespmem:s31+$0x6800] =	vst v10;
	v8 =	vadd.f32 v8, v1;
	v10 =	vld [tilespmem:s31+$0x9A30]  }
0x38: {  	v11 =	vld [tilespmem:s0+$0x13000];
	[tilespmem:s31+$0x6810] =	vst v9;
	v7 =	vadd.f32 v7, v0  }
0x39: {  	v9 =	vld [tilespmem:s0+$0x13010];
	[tilespmem:s31+$0x6820] =	vst v8;
	v3 =	vadd.f32 v6, v3  }
0x3a: {  	v6 =	vld [tilespmem:s0+$0x13020];
	[tilespmem:s31+$0x6830] =	vst v7;
	v2 =	vadd.f32 v4, v2  }
0x3b: {  	v4 =	vld [tilespmem:s0+$0x13030];
	[tilespmem:s31+$0x9A00] =	vst v3;
	v1 =	vadd.f32 v5, v1  }
0x3c: {  	v5 =	vld [tilespmem:s0+$0x6800];
	[tilespmem:s31+$0x9A10] =	vst v2;
	v0 =	vadd.f32 v10, v0  }
0x3d: {  	v12 =	vld [tilespmem:s0+$0x6810];
	[tilespmem:s31+$0x9A20] =	vst v1;
	v3 =	vmov v11  }
.Ltmp0:
0x3e: {  	v8 =	vld [tilespmem:s0+$0x6820];
	[tilespmem:s31+$0x9A30] =	vst v0;
	v2 =	vmov v9;
	s31 =	smov.u32 s0;
	(pc) =	sbr.rel @p0 .LBB2_3-.Ltmp0, $4  }
0x3f: {  	v7 =	vld [tilespmem:s31+$0x6830];
	v1 =	vmov v6  }
0x40: {  	v6 =	vld [tilespmem:s31+$0x9A00];
	v0 =	vmov v4  }
0x41: {  	v10 =	vadd.f32 v5, v3;
	v4 =	vld [tilespmem:s31+$0x9A10]  }
0x42: {  	s1 =	sadd.s32 $0x100, s1;
	v9 =	vadd.f32 v12, v2;
	v5 =	vld [tilespmem:s31+$0x9A20]  }
0x43: {  	[tilespmem:s31+$0x6800] =	vst v10;
	v8 =	vadd.f32 v8, v1;
	v10 =	vld [tilespmem:s31+$0x9A30]  }
0x44: {  	[tilespmem:s31+$0x6810] =	vst v9;
	v7 =	vadd.f32 v7, v0  }
0x45: {  	[tilespmem:s31+$0x6820] =	vst v8;
	v3 =	vadd.f32 v6, v3  }
0x46: {  	[tilespmem:s31+$0x6830] =	vst v7;
	v2 =	vadd.f32 v4, v2  }
0x47: {  	s0 =	sadd.s32 s7, s30;
	[tilespmem:s31+$0x9A00] =	vst v3;
	v1 =	vadd.f32 v5, v1  }
0x48: {  	s0 =	smul.u32 $0xC80, s0;
	[tilespmem:s31+$0x9A10] =	vst v2;
	v0 =	vadd.f32 v10, v0  }
0x49: {  	[tilespmem:s31+$0x9A20] =	vst v1  }
0x4a: {  	p0 =	seq.s32 s28, $0x1F;
	s0 =	sadd.s32 s2, s0;
	[tilespmem:s31+$0x9A30] =	vst v0  }
0x4b: {  	[hbm4b:s0+s3] =	stream.linear.scatter [tilespmem:s12], [sflag:$0x3], $0x6400, $0x38;
	[tilespmem:$0x16200] =	vst v63  }
0x4c: {  	s0 =	smul.u32 @!p0 $0xD00, s28  }
0x4d: {  	_ =	swait.ge [sflag:s24], $0x6400  }
0x4e: {  	s30 =	simm.s32 @!p0 $0x64;
	[sflag:s24] =	ssyncset.done $0x0;
	s0 =	sshra.s32 @!p0 s0, $0x2  }
0x4f: {  	s31 =	simm.s32 @!p0 $0x6800;
	[sflag:s24] =	ssyncadd.s32 $0xFFFF9C00;
	s1 =	sadd.s32 @!p0 $0x340, s0  }
0x50: {  	[tilespmem:s31], [sflag:$0x1] =	stream.indirect.gather @!p0 [hbm4b:s4+s30], $0x40, s1, s30, $0xb8;
	[tilespmem:$0x16200] =	vst v63  }
0x51: {  	s1 =	sadd.s32 @!p0 $0x3A8, s0;
	s31 =	simm.s32 @!p0 $0x8100  }
0x52: {  	[tilespmem:s31], [sflag:$0x1] =	stream.indirect.gather @!p0 [hbm4b:s4+s30], $0x40, s1, s30, $0xb8;
	[tilespmem:$0x16200] =	vst v63  }
0x53: {  	s1 =	sadd.s32 @!p0 $0x410, s0;
	s31 =	simm.s32 @!p0 $0x9A00  }
0x54: {  	[tilespmem:s31], [sflag:$0x1] =	stream.indirect.gather @!p0 [hbm4b:s4+s30], $0x40, s1, s30, $0xb8;
	[tilespmem:$0x16200] =	vst v63  }
0x55: {  	s0 =	sadd.s32 @!p0 $0x478, s0;
	s1 =	simm.s32 @!p0 $0xB300  }
0x56: {  	[tilespmem:s1], [sflag:$0x1] =	stream.indirect.gather @!p0 [hbm4b:s4+s30], $0x40, s0, s30, $0xb8;
	[tilespmem:$0x16200] =	vst v63  }
0x57: {  	_ =	swait.ge [sflag:s25], $0x6400  }
0x58: {  	[sflag:s25] =	ssyncset.done $0x0  }
0x59: {  	s30 =	simm.s32 $0x0;
	[sflag:s25] =	ssyncadd.s32 $0xFFFF9C00  }
0x5a: {  	v3 =	vld [tilespmem:s30+$0x13000]  }
0x5b: {  	v2 =	vld [tilespmem:s30+$0x13010]  }
0x5c: {  	v1 =	vld [tilespmem:s30+$0x13020]  }
0x5d: {  	v0 =	vld [tilespmem:s30+$0x13030]  }
0x5e: {  	v5 =	vld [tilespmem:s30+$0xCC00]  }
0x5f: {  	v9 =	vld [tilespmem:s30+$0xCC10]  }
0x60: {  	v8 =	vld [tilespmem:s30+$0xCC20]  }
0x61: {  	v7 =	vld [tilespmem:s30+$0xCC30]  }
0x62: {  	v6 =	vld [tilespmem:s30+$0xFE00]  }
0x63: {  	v4 =	vld [tilespmem:s30+$0xFE10];
	v10 =	vadd.f32 v5, v3  }
0x64: {  	s1 =	simm.s32 $0x100;
	v9 =	vadd.f32 v9, v2;
	v5 =	vld [tilespmem:s30+$0xFE20]  }
.LBB2_5:
0x65: {  	s0 =	sshra.s32 s1, $0x2;
	p0 =	sne.s32 s1, $0xC700;
	[tilespmem:s30+$0xCC00] =	vst v10;
	v8 =	vadd.f32 v8, v1;
	v10 =	vld [tilespmem:s30+$0xFE30]  }
0x66: {  	v11 =	vld [tilespmem:s0+$0x13000];
	[tilespmem:s30+$0xCC10] =	vst v9;
	v7 =	vadd.f32 v7, v0  }
0x67: {  	v9 =	vld [tilespmem:s0+$0x13010];
	[tilespmem:s30+$0xCC20] =	vst v8;
	v3 =	vadd.f32 v6, v3  }
0x68: {  	v6 =	vld [tilespmem:s0+$0x13020];
	[tilespmem:s30+$0xCC30] =	vst v7;
	v2 =	vadd.f32 v4, v2  }
0x69: {  	v4 =	vld [tilespmem:s0+$0x13030];
	[tilespmem:s30+$0xFE00] =	vst v3;
	v1 =	vadd.f32 v5, v1  }
0x6a: {  	v5 =	vld [tilespmem:s0+$0xCC00];
	[tilespmem:s30+$0xFE10] =	vst v2;
	v0 =	vadd.f32 v10, v0  }
0x6b: {  	v12 =	vld [tilespmem:s0+$0xCC10];
	[tilespmem:s30+$0xFE20] =	vst v1;
	v3 =	vmov v11  }
.Ltmp1:
0x6c: {  	v8 =	vld [tilespmem:s0+$0xCC20];
	[tilespmem:s30+$0xFE30] =	vst v0;
	v2 =	vmov v9;
	s30 =	smov.u32 s0;
	(pc) =	sbr.rel @p0 .LBB2_5-.Ltmp1, $4  }
0x6d: {  	v7 =	vld [tilespmem:s30+$0xCC30];
	v1 =	vmov v6  }
0x6e: {  	v6 =	vld [tilespmem:s30+$0xFE00];
	v0 =	vmov v4  }
0x6f: {  	v10 =	vadd.f32 v5, v3;
	v4 =	vld [tilespmem:s30+$0xFE10]  }
0x70: {  	s1 =	sadd.s32 $0x100, s1;
	v9 =	vadd.f32 v12, v2;
	v5 =	vld [tilespmem:s30+$0xFE20]  }
0x71: {  	[tilespmem:s30+$0xCC00] =	vst v10;
	v8 =	vadd.f32 v8, v1;
	v61 =	vld [tilespmem:s30+$0xFE30]  }
0x72: {  	[tilespmem:s30+$0xCC10] =	vst v9;
	v7 =	vadd.f32 v7, v0  }
0x73: {  	s28 =	sadd.s32 $0x1, s28;
	[tilespmem:s30+$0xCC20] =	vst v8;
	v3 =	vadd.f32 v6, v3  }
0x74: {  	p0 =	sne.s32 s28, $0x20;
	[tilespmem:s30+$0xCC30] =	vst v7;
	v2 =	vadd.f32 v4, v2  }
.Ltmp2:
0x75: {  	s0 =	sadd.s32 s7, s29;
	[tilespmem:s30+$0xFE00] =	vst v3;
	v62 =	vadd.f32 v5, v1;
	(pc) =	sbr.rel @p0 .LBB2_2-.Ltmp2, $4  }
0x76: {  	s0 =	smul.u32 $0xC80, s0;
	[tilespmem:s30+$0xFE10] =	vst v2;
	v63 =	vadd.f32 v61, v0  }
0x77: {  	[tilespmem:s30+$0xFE20] =	vst v62  }
0x78: {  	s0 =	sadd.s32 s2, s0;
	[tilespmem:s30+$0xFE30] =	vst v63  }
0x79: {  	[hbm4b:s0+s3] =	stream.linear.scatter [tilespmem:s19], [sflag:$0x3], $0x6400, $0x38;
	[tilespmem:$0x16200] =	vst v63  }
0x7a: {  	s26 =	sadd.s32 $0x1, s26  }
0x7b: {  	p0 =	sne.s32 s26, s8  }
.Ltmp3:
0x7c: {  	_ = 	snop;
	(pc) =	sbr.rel @p0 .LBB2_1-.Ltmp3, $4  }
0x7d: {  	_ = 	snop  }
0x7e: {  	_ =	swait.ge [sflag:s24], $0x6400  }
0x7f: {  	[sflag:s24] =	ssyncset.done $0x0  }
0x80: {  	[sflag:s24] =	ssyncadd.s32 $0xFFFF9C00  }
0x81: {  	_ =	sfence.sel $0x180000  }
0x82: {  	[bflag:$0x0] =	sbarrier.arrive $0xFFFF  }
0x83: {  	_ =	strace $0x90000047  }
0x84: {  	s0 =	stileid.u32;
	[bflag:$0x2] =	sbarrier.arrive $0xFFFF  }
0x85: {  	p0 =	sne.s32 s0, $0x0;
	s0 =	rddreg [dreg:$0x2]  }
0x86: {  	s0 =	sadd.s32 @!p0 $0x100000, s0  }
0x87: {  	[sflag:s0] =	ssyncadd.tile.s32 @!p0 $0x1;
	_ =	shalt  }
.Lfunc_end2:
_tile_overlayer_lowered:
.L_overlay_start_2:
0x88: {  	(tag) =	ssettag $0x2  }
0x89: {  	s0 =	rddreg [dreg:$0x0];
	s2 =	stileid.u32  }
0x8a: {  	s1 =	rddreg [dreg:$0x1];
	p0 =	sne.s32 s2, $0x0  }
0x8b: {  	s3 =	rddreg [dreg:$0x2];
	[bflag:$0x3] =	sbarrier.arrive $0xFFFF;
	s2 =	simm.s32 @!p0 $0x1C04  }
0x8c: {  	[timem:s3], [sflag:s2] =	dma.local @!p0 [hbm:s0], s1  }
0x8d: {  	s0 =	simm.s32 @!p0 $0x4  }
0x8e: {  	_ =	swait.ge @!p0 [sflag:s0], s1  }
0x8f: {  	s1 =	ssub.s32 @!p0 $0x0, s1;
	[sflag:s0] =	ssyncset.done @!p0 $0x0  }
0x90: {  	[sflag:s0] =	ssyncadd.s32 @!p0 s1  }
0x91: {  	[bflag:$0x3] =	sbarrier.arrive $0xFFFF  }
0x92: {  	_ =	shalt  }

// kernel: sparse-core-data-format-call.cloned.1.call-start
scs
called_computation_lowered:
.L_overlay_start_0:
0x0: {  	s2 =	sld [smem:$0x3FD9]  }
0x1: {  	s3 =	sld [smem:$0x3FFE];
	_ =	sdelay $0x1  }
0x2: {  	s1 =	srdreg.scid  }
0x3: {  	s0 =	sand.u32 $0x1, s1  }
0x4: {  	s18 =	sshll.u32 s0, $0xA;
	s2 =	sadd.s32 s3, s2  }
0x5: {  	s2 =	sadd.s32 s2, s18  }
0x6: {  	[smem:$0x3FC6] =	sst s2  }
0x7: {  	_ = 	snop  }
0x8: {  	s2 =	sld [smem:$0x3FD0];
	(tm) =	ssettm $0x1  }
0x9: {  	s19 =	sld [smem:$0x3FFB];
	_ =	sdelay $0x3  }
0xa: {  	_ =	strace s19  }
0xb: {  	s3 =	sld [smem:$0x3FFC];
	_ =	sdelay $0x3  }
0xc: {  	_ =	strace s3  }
0xd: {  	s3 =	sld [smem:$0x3FFD];
	_ =	sdelay $0x3  }
0xe: {  	_ =	strace s3  }
0xf: {  	_ =	strace $0x8FFFFFFF  }
0x10: {  	s20 =	sld [smem:$0x3FDB];
	_ =	sdelay $0x1  }
0x11: {  	s4 =	simm.s32 $_scs_section_size  }
0x12: {  	s5 =	simm.s32 $_size__tile_overlayer_lowered;
	s6 =	simm.s32 $_tile_overlayer_lowered  }
0x13: {  	s23 =	simm.s32 $0x1BFF;
	s22 =	sshll.u32 s6, $0x1;
	s3 =	sadd.s32 s4, s20  }
0x14: {  	s7 =	simm.s32 $0x0;
	s21 =	sshll.u32 s5, $0x1;
	s5 =	sadd.s32 s22, s3  }
0x15: {  	[timem:s7], [sflag:s23] =	dma.local [hbm:s5], s21  }
0x16: {  	_ =	swait.ge [sflag:s23], s21  }
0x17: {  	s4 =	ssub.s32 $0x0, s21;
	[sflag:s23] =	ssyncset.done $0x0  }
0x18: {  	[sflag:s23] =	ssyncadd.s32 s4;
	_ =	sdelay $0x1  }
0x19: {  	s24 =	simm.s32 $0x1B8B  }
0x1a: {  	_ =	swait.ge [sflag:s24], $0x1  }
0x1b: {  	[sflag:s24] =	ssyncset.done $0x0  }
0x1c: {  	s26 =	simm.s32 $0x1B8E;
	s25 =	sld [smem:$0x3FFE];
	[sflag:s24] =	ssyncadd.s32 $0xFFFFFFFF  }
0x1d: {  	s27 =	simm.s32 $execute0_lowered;
	[smem:$0x3FD2] =	sst s26  }
0x1e: {  	s5 =	sshll.u32 s27, $0x1;
	_ =	strace $0x80000049;
	[dreg:$0x1] =	wrdreg $0xFFFFFFFF  }
0x1f: {  	s28 =	simm.s32 $_size_execute0_lowered;
	s3 =	sadd.s32 s3, s5;
	[dreg:$0x0] =	wrdreg $0x0  }
0x20: {  	s5 =	sshll.u32 s28, $0x1;
	[dreg:$0x2] =	wrdreg s3  }
0x21: {  	[dreg:$0x3] =	wrdreg s5  }
0x22: {  	[dreg:$0x4] =	wrdreg $0xC0  }
0x23: {  	_ =	task [dreg:s7], $0x5FFFF  }
0x24: {  	[dreg:$0x1] =	wrdreg $0xFFFFFFFF  }
0x25: {  	[dreg:$0x0] =	wrdreg $0x60  }
0x26: {  	[dreg:$0x2] =	wrdreg s25  }
0x27: {  	[dreg:$0x3] =	wrdreg s2  }
0x28: {  	[dreg:$0x4] =	wrdreg $0x9  }
0x29: {  	_ =	task.clear_ibuf [dreg:s7], $0x5FFFF;
	_ =	strace $0x90000049  }
0x2a: {  	s29 =	simm.s32 $0x9;
	_ =	strace $0x8000004B  }
0x2b: {  	_ =	swait.ge [sflag:s29], $0x1  }
0x2c: {  	[sflag:s29] =	ssyncadd.s32 $0xFFFFFFFF  }
0x2d: {  	_ =	strace $0x9000004B  }
0x2e: {  	_ =	sfence  }
0x2f: {  	s30 =	sld [smem:$0x0];
	_ =	sdelay $0x2  }
0x30: {  	s31 =	sshll.u32 s1, $0xD;
	s1 =	sshrl.u32 s1, $0x2  }
0x31: {  	s3 =	sand.u32 $0x4000, s31;
	s1 =	sadd.s32 s1, s30  }
0x32: {  	s0 =	sor.u32 s3, s0;
	s1 =	sshll.u32 s1, $0x11  }
0x33: {  	s0 =	sor.u32 s1, s0  }
0x34: {  	s0 =	sadd.s32 $0x8F2B, s0  }
0x35: {  	[sflag:s0] =	ssyncadd.remote.s32 $0x1  }
0x36: {  	_ =	sfence.sel $0xFFFF  }
0x37: {  	[dreg:$0x0] =	wrdreg $0xFFFFFFFF;
	(pc) =	sbr.abs _section_cstart, $3  }
0x38: {  	[dreg:$0x1] =	wrdreg $0xFFFFFFFF  }
0x39: {  	_ =	task.clear_ibuf [dreg:s7], $0x2FFFF;
	_ =	strace $0x9FFFFFFF  }
0x3a: {  	(tm) =	ssettm $0x7FFFFFFF  }
0x3b: {  	_ =	shalt  }
tec
execute0_lowered:
.L_overlay_start_1:
0x0: {  	(tag) =	ssettag $0x1  }
0x1: {  	s0 =	srdreg.scid  }
0x2: {  	s1 =	sshll.u32 s0, $0x4  }
0x3: {  	s0 =	stileid.u32;
	s1 =	sand.u32 $0x10, s1  }
0x4: {  	s1 =	sor.u32 s0, s1  }
0x5: {  	s6 =	rddreg [dreg:$0x0];
	s4 =	simm.s32 $0x1;
	s2 =	sshll.u32 s1, $0x7  }
0x6: {  	s7 =	simm.s32 $0x2;
	s12 =	simm.s32 $0x0;
	s1 =	ssub.s32 $0x1000, s2  }
0x7: {  	s8 =	simm.s32 $0x8000;
	s13 =	simm.s32 $0x0;
	s3 =	sand.u32 $0xF80, s1  }
0x8: {  	s9 =	simm.s32 $0x0;
	s5 =	sshrl.u32 s1, $0xC;
	p0 =	sne.s32 s3, $0x0  }
.Ltmp0:
0x9: {  	s1 =	rddreg [dreg:$0x2];
	s4 =	simm.s32 @!p0 $0x0;
	(pc) =	sbr.rel .LBB1_1-.Ltmp0, $4  }
0xa: {  	s11 =	simm.s32 $0x0;
	s3 =	rddreg [dreg:$0x1];
	s5 =	sadd.s32 s4, s5  }
0xb: {  	_ =	strace $0x8000004A;
	s4 =	simm.s32 $0x1;
	s5 =	smul.u32 $0xC8, s5  }
0xc: {  	s6 =	sadd.s32 $0xC00, s6;
	s10 =	smov.u32 s2;
	[sflag:s4] =	ssyncpa.u1 $0x0  }
0xd: {  	p0 =	por $0x0, $0x0;
	[sflag:s7] =	ssyncpa.u1 $0x0;
	s7 =	sor.u32 $0x1, s5  }
.LBB1_4:
0xe: {  	s16 =	sshll.u32 s13, $0x3;
	s17 =	sand.u32 $0x78, s13  }
0xf: {  	s30 =	sand.u32 $0x7E00, s13;
	s12 =	sshll.u32 s12, $0xF;
	s16 =	sand.u32 $0xC00, s16  }
0x10: {  	[tilespmem:s15+$0x810 ss:$0x81] =	vst.msk $0xffff, v2;
	s31 =	sand.u32 $0x7, s13;
	s16 =	sor.u32 s17, s16;
	s17 =	sadd.s32 s3, s30  }
0x11: {  	[tilespmem:s15+$0x1020 ss:$0x81] =	vst.msk $0xffff, v0;
	s13 =	sshll.u32 s31, $0x12;
	s12 =	sadd.s32 s12, s17;
	s16 =	sshrl.u32 s16, $0x3  }
0x12: {  	[tilespmem:s15+$0x0 ss:$0x81] =	vst.msk $0xffff, v1;
	s13 =	sor.u32 $0x400, s13;
	s12 =	sadd.s32 s16, s12  }
0x13: {  	[hbm4b:s12+s13] =	stream.strided.scatter [tilespmem:s14], [sflag:$0x2], $0x2000, s8, s13, $0x20;
	[tilespmem:$0x8080] =	vst v63  }
.LBB1_5:
0x14: {  	s14 =	sadd.s32 $0x1, s9  }
0x15: {  	s12 =	sadd.s32 $0x1000, s10;
	s16 =	smov.u32 s10;
	p2 =	sgt.s32 s14, $0xC7  }
0x16: {  	s16 =	smov.u32 @p2 s12  }
0x17: {  	s14 =	simm.s32 @p2 $0x0;
	p2 =	sgt.s32 s16, $0xFFF  }
0x18: {  	s16 =	smov.u32 @p2 s2;
	p2 =	sne.s32 s11, s7  }
.Ltmp1:
0x19: {  	p1 =	slt.u32 s11, $0x2;
	(pc) =	sbr.rel @!p2 .LBB1_6-.Ltmp1, $4  }
0x1a: {  	s15 =	simm.s32 @!p1 $0x2  }
0x1b: {  	s13 =	smov.u32 s10;
	p0 =	por !p0, !p0;
	_ =	swait.ge @!p1 [sflag:s15], $0x2000  }
0x1c: {  	s12 =	smov.u32 s9;
	[sflag:s15] =	ssyncset.done @!p1 $0x0;
	s9 =	smov.u32 s14  }
0x1d: {  	s11 =	sadd.s32 $0x1, s11;
	[sflag:s15] =	ssyncadd.s32 @!p1 $0xFFFFE000;
	s10 =	smov.u32 s16  }
.LBB1_1:
0x1e: {  	p1 =	sge.u32 s11, s5  }
0x1f: {  	s14 =	sand.u32 @!p1 $0x1FFFFFF, s9  }
0x20: {  	s15 =	smulhi.u32 @!p1 $0x147AE15, s14;
	_ =	sdelay $0x1  }
0x21: {  	s15 =	smul.u32 @!p1 $0xC8, s15  }
0x22: {  	s16 =	sxor.u32 @!p1 $0xFFFFFFFF, s11;
	s17 =	smul.u32 @!p1 $0xC80, s10  }
0x23: {  	s31 =	sadd.s32 $0xFFFFFFFF, s11;
	s16 =	sshll.u32 @!p1 s16, $0xD;
	s14 =	ssub.s32 @!p1 s14, s15  }
0x24: {  	s15 =	sand.u32 @!p1 $0x2000, s16;
	s16 =	sadd.s32 @!p1 s6, s17;
	s14 =	sshll.u32 @!p1 s14, $0x4  }
0x25: {  	s17 =	simm.s32 @!p1 $0x6400;
	s14 =	sadd.s32 @!p1 s14, s16;
	s16 =	simm.s32 @!p1 $0x40  }
0x26: {  	[tilespmem:s15], [sflag:$0x1] =	stream.strided.gather @!p1 [hbm4b:s14+s16], $0x2000, s17, s16, $0x38;
	[tilespmem:$0x8080] =	vst v63  }
0x27: {  	p1 =	sge.u32 s31, s5  }
.Ltmp2:
0x28: {  	_ = 	snop;
	(pc) =	sbr.rel @p1 .LBB1_5-.Ltmp2, $1  }
0x29: {  	_ =	sdelay $0x3  }
0x2a: {  	s14 =	simm.s32 $0x1  }
0x2b: {  	_ =	swait.ge [sflag:s4], $0x2000;
	s14 =	simm.s32 @!p0 $0x0  }
0x2c: {  	[sflag:s4] =	ssyncset.done $0x0;
	s15 =	sshll.u32 s14, $0xD  }
0x2d: {  	[sflag:s4] =	ssyncadd.s32 $0xFFFFE000;
	s18 =	sor.u32 $0x20, s15  }
0x2e: {  	s14 =	smul.u32 $0x8100, s14;
	v3 =	vld [tilespmem:s18+$0x10]  }
0x2f: {  	s30 =	sand.u32 $0x1, s11;
	v2 =	vld [tilespmem:s18+$0xFFFFFFF0]  }
0x30: {  	s15 =	smul.u32 $0x8100, s30;
	s14 =	sshrl.u32 s14, $0x2;
	v0 =	vld [tilespmem:s18+$0x0]  }
0x31: {  	v1 =	vld [tilespmem:s18+$0xFFFFFFE0];
	s16 =	sor.u32 $0x4000, s14  }
0x32: {  	s31 =	sshrl.u32 s15, $0x2;
	s15 =	sadd.s32 $0x0, s16  }
0x33: {  	s17 =	simm.s32 $0x4;
	s18 =	sadd.s32 $0x40, s18;
	s14 =	sor.u32 $0x4000, s31;
	[tilespmem:s15+$0x1830 ss:$0x81] =	vst.msk $0xffff, v3  }
.LBB1_3:
0x34: {  	v3 =	vld [tilespmem:s18+$0x10];
	p1 =	sne.s32 s17, $0x1FC;
	[tilespmem:s15+$0x810 ss:$0x81] =	vst.msk $0xffff, v2;
	s19 =	smov.u32 s17;
	s17 =	sadd.s32 $0x4, s17  }
.Ltmp3:
0x35: {  	v2 =	vld [tilespmem:s18+$0xFFFFFFF0];
	[tilespmem:s15+$0x1020 ss:$0x81] =	vst.msk $0xffff, v0;
	(pc) =	sbr.rel @p1 .LBB1_3-.Ltmp3, $4  }
0x36: {  	v0 =	vld [tilespmem:s18+$0x0];
	[tilespmem:s15+$0x0 ss:$0x81] =	vst.msk $0xffff, v1  }
0x37: {  	s15 =	sshra.s32 s19, $0x2;
	v1 =	vld [tilespmem:s18+$0xFFFFFFE0]  }
0x38: {  	s15 =	sadd.s32 s15, s16  }
0x39: {  	s18 =	sadd.s32 $0x40, s18;
	[tilespmem:s15+$0x1830 ss:$0x81] =	vst.msk $0xffff, v3  }
.Ltmp4:
0x3a: {  	_ = 	snop;
	(pc) =	sbr.rel .LBB1_4-.Ltmp4, $1  }
0x3b: {  	_ =	sdelay $0x3  }
.LBB1_6:
0x3c: {  	_ =	sfence.sel $0x180000  }
0x3d: {  	s2 =	simm.s32 $0x1;
	[bflag:$0x0] =	sbarrier.arrive $0xFFFF  }
0x3e: {  	s31 =	simm.s32 $0x2;
	[sflag:s2] =	ssyncpa.u1 $0x1  }
0x3f: {  	[sflag:s31] =	ssyncpa.u1 $0x1  }
0x40: {  	p0 =	sne.s32 s0, $0x0;
	_ =	strace $0x9000004A  }
0x41: {  	s0 =	sadd.s32 @!p0 $0x100000, s1;
	[bflag:$0x2] =	sbarrier.arrive $0xFFFF  }
0x42: {  	[sflag:s0] =	ssyncadd.tile.s32 @!p0 $0x1;
	_ =	shalt  }
.Lfunc_end1:
_tile_overlayer_lowered:
.L_overlay_start_2:
0x43: {  	(tag) =	ssettag $0x2  }
0x44: {  	s0 =	rddreg [dreg:$0x0];
	s2 =	stileid.u32  }
0x45: {  	s1 =	rddreg [dreg:$0x1];
	p0 =	sne.s32 s2, $0x0  }
0x46: {  	s3 =	rddreg [dreg:$0x2];
	[bflag:$0x3] =	sbarrier.arrive $0xFFFF;
	s2 =	simm.s32 @!p0 $0x1C01  }
0x47: {  	[timem:s3], [sflag:s2] =	dma.local @!p0 [hbm:s0], s1  }
0x48: {  	s0 =	simm.s32 @!p0 $0x1  }
0x49: {  	_ =	swait.ge @!p0 [sflag:s0], s1  }
0x4a: {  	s1 =	ssub.s32 @!p0 $0x0, s1;
	[sflag:s0] =	ssyncset.done @!p0 $0x0  }
0x4b: {  	[sflag:s0] =	ssyncadd.s32 @!p0 s1  }
0x4c: {  	[bflag:$0x3] =	sbarrier.arrive $0xFFFF  }
0x4d: {  	_ =	shalt  }

</sc_bundles>
